<compile_context>
chip_gen: v7x
topology: tpu7x:2x2x1
jax: 0.10.2.dev20260603
libtpu: 0.0.44.dev20260713+nightly
codegen_flags: <defaults>
</compile_context>

<pallas_src>
import functools

import jax
import jax.numpy as jnp
from jax import lax
from jax.experimental import pallas as pl
from jax.experimental.pallas import tpu as pltpu
from jax.experimental.pallas import tpu_sc as plsc

B = 16384
F = 128
H1, H2, H3 = 1024, 512, 256

NC, NS = 2, 16
NW = NC * NS
CHUNK = 128
SPLITS = (8192, 8192)
BM = 4096


@functools.cache
def _make_sc_gather(bsub):
    bpw = bsub // NW
    nch = bpw // CHUNK
    mesh = plsc.VectorSubcoreMesh(core_axis_name="c", subcore_axis_name="s")

    @functools.partial(
        pl.kernel,
        mesh=mesh,
        out_type=jax.ShapeDtypeStruct((bsub, 2 * F), jnp.float32),
        scratch_types=[
            pltpu.VMEM((2 * nch, CHUNK), jnp.int32),
            pltpu.VMEM((CHUNK, F), jnp.float32),
            pltpu.VMEM((CHUNK, F), jnp.float32),
            pltpu.SemaphoreType.DMA,
            pltpu.SemaphoreType.DMA,
        ],
    )
    def _sc_gather(uidx, midx, utab, mtab, x, idx_v, buf0, buf1, gsem, wsem):
        wid = lax.axis_index("s") * NC + lax.axis_index("c")
        base = wid * bpw
        pltpu.sync_copy(uidx.at[wid], idx_v.at[pl.ds(0, nch)])
        pltpu.sync_copy(midx.at[wid], idx_v.at[pl.ds(nch, nch)])
        bufs = [buf0, buf1]
        nph = 2 * nch
        tabs = [utab] * nch + [mtab] * nch
        cols = [0] * nch + [F] * nch
        gath = [None, None]
        writes = [None, None]
        gath[0] = pltpu.async_copy(tabs[0].at[idx_v.at[0]], bufs[0], gsem)
        for p in range(nph):
            nxt = p + 1
            if nxt < nph:
                if writes[nxt % 2] is not None:
                    writes[nxt % 2].wait()
                gath[nxt % 2] = pltpu.async_copy(
                    tabs[nxt].at[idx_v.at[nxt]], bufs[nxt % 2], gsem)
            gath[p % 2].wait()
            row = base + (p % nch) * CHUNK
            writes[p % 2] = pltpu.async_copy(
                bufs[p % 2], x.at[pl.ds(row, CHUNK), pl.ds(cols[p], F)], wsem)
        writes[0].wait()
        writes[1].wait()

    return _sc_gather


_NT = (((1,), (1,)), ((), ()))


def _dot_nt(a, w):
    return lax.dot_general(a, w, _NT, preferred_element_type=jnp.float32)


def _mlp_body(x, w1, b1, w2, b2, w3, b3, wf, bf, out):
    bf16 = jnp.bfloat16
    h = jnp.maximum(_dot_nt(x[...].astype(bf16), w1[...]) + b1[...], 0.0).astype(bf16)
    h = jnp.maximum(_dot_nt(h, w2[...]) + b2[...], 0.0).astype(bf16)
    h = jnp.maximum(_dot_nt(h, w3[...]) + b3[...], 0.0).astype(bf16)
    bm = x.shape[0]
    z = _dot_nt(wf[...].astype(bf16), h) + bf[0, 0]
    out[...] = (4.5 * jax.nn.sigmoid(z) + 0.5).reshape(bm // 128, 128)


def _mlp(x, w1, b1, w2, b2, w3, b3, wf, bf, interpret=False):
    bsub = x.shape[0]
    bm = min(BM, bsub)
    const = lambda i: (0, 0)
    return pl.pallas_call(
        _mlp_body,
        grid=(bsub // bm,),
        in_specs=[
            pl.BlockSpec((bm, 2 * F), lambda i: (i, 0)),
            pl.BlockSpec((H1, 2 * F), const),
            pl.BlockSpec((1, H1), const),
            pl.BlockSpec((H2, H1), const),
            pl.BlockSpec((1, H2), const),
            pl.BlockSpec((H3, H2), const),
            pl.BlockSpec((1, H3), const),
            pl.BlockSpec((1, H3), const),
            pl.BlockSpec((1, 1), const),
        ],
        out_specs=pl.BlockSpec((bm // 128, 128), lambda i: (i, 0)),
        out_shape=jax.ShapeDtypeStruct((bsub // 128, 128), jnp.float32),
        interpret=interpret,
    )(x, w1, b1, w2, b2, w3, b3, wf, bf)


def kernel(users, movies, user_table, movie_table, W1, b1, W2, b2, W3, b3, Wf, bf):
    w1 = W1.astype(jnp.bfloat16)
    w2 = W2.astype(jnp.bfloat16)
    w3 = W3.astype(jnp.bfloat16)
    b1r = b1.reshape(1, H1).astype(jnp.bfloat16)
    b2r = b2.reshape(1, H2).astype(jnp.bfloat16)
    b3r = b3.reshape(1, H3).astype(jnp.bfloat16)
    bfr = bf.reshape(1, 1)
    outs = []
    off = 0
    for bsub in SPLITS:
        nch = bsub // NW // CHUNK
        uidx = lax.dynamic_slice_in_dim(users, off, bsub).reshape(NW, nch, CHUNK)
        midx = lax.dynamic_slice_in_dim(movies, off, bsub).reshape(NW, nch, CHUNK)
        x = _make_sc_gather(bsub)(uidx, midx, user_table, movie_table)
        outs.append(_mlp(x, w1, b1r, w2, b2r, w3, b3r, Wf, bfr))
        off += bsub
    return jnp.concatenate(outs, axis=0).reshape(B, 1)

# --- scband reference (transcript-rebuilt; emitter-appended) ---
"""Pipeline reference for scband-feed-forward-embed-nn-59931973649116 (READ-ONLY COPY).

The authoritative reference and input builder live on the scoring server;
editing this copy changes nothing except your own understanding.
"""

import jax, jax.numpy as jnp
import numpy as np

B = 16384
NU = 100000
NM = 100000
F = 128
H1, H2, H3 = 1024, 512, 256


def setup_inputs(seed: int = 0) -> dict:
    key = jax.random.key(seed)
    ks = jax.random.split(key, 12)
    users = jax.random.randint(ks[0], (B,), 0, NU, dtype=jnp.int64 if jax.config.jax_enable_x64 else jnp.int32)
    movies = jax.random.randint(ks[1], (B,), 0, NM, dtype=jnp.int64 if jax.config.jax_enable_x64 else jnp.int32)
    user_table = jax.random.normal(ks[2], (NU, F), dtype=jnp.float32) * 0.05
    movie_table = jax.random.normal(ks[3], (NM, F), dtype=jnp.float32) * 0.05
    W1 = jax.random.normal(ks[4], (H1, 2 * F), dtype=jnp.float32) * (1.0 / np.sqrt(2 * F))
    b1 = jnp.zeros((H1,), dtype=jnp.float32)
    W2 = jax.random.normal(ks[5], (H2, H1), dtype=jnp.float32) * (1.0 / np.sqrt(H1))
    b2 = jnp.zeros((H2,), dtype=jnp.float32)
    W3 = jax.random.normal(ks[6], (H3, H2), dtype=jnp.float32) * (1.0 / np.sqrt(H2))
    b3 = jnp.zeros((H3,), dtype=jnp.float32)
    Wf = jax.random.normal(ks[7], (1, H3), dtype=jnp.float32) * (1.0 / np.sqrt(H3))
    bf = jnp.zeros((1,), dtype=jnp.float32)
    return {
        "users": users,
        "movies": movies,
        "user_table": user_table,
        "movie_table": movie_table,
        "W1": W1, "b1": b1,
        "W2": W2, "b2": b2,
        "W3": W3, "b3": b3,
        "Wf": Wf, "bf": bf,
    }


def reference(users, movies, user_table, movie_table, W1, b1, W2, b2, W3, b3, Wf, bf):
    min_rating, max_rating = 0.5, 5.0
    ue = jnp.take(user_table, users, axis=0)
    me = jnp.take(movie_table, movies, axis=0)
    x = jnp.concatenate([ue, me], axis=1)
    # hidden_layers: Linear -> ReLU -> Dropout(inactive at inference) repeated
    h = jax.nn.relu(x @ W1.T + b1)
    h = jax.nn.relu(h @ W2.T + b2)
    h = jax.nn.relu(h @ W3.T + b3)
    # extra relu applied in forward()
    h = jax.nn.relu(h)
    out = jax.nn.sigmoid(h @ Wf.T + bf)
    out = out * (max_rating - min_rating) + min_rating
    return out

if __name__ == "__main__":
    import jax
    _d = setup_inputs()
    print(jax.jit(kernel)(*tuple(_d.values())))

</pallas_src>

<mosaic_0001>
#map = affine_map<(d0, d1) -> (0, 0, 0)>
#map1 = affine_map<(d0, d1) -> (0, 0)>
module attributes {stable_mosaic.version = 14 : i64} {
  func.func @_sc_gather(%arg0: i32, %arg1: i32, %arg2: memref<32x2x128xi32, #tpu.memory_space<hbm>>, %arg3: memref<32x2x128xi32, #tpu.memory_space<hbm>>, %arg4: memref<100000x128xf32, #tpu.memory_space<hbm>>, %arg5: memref<100000x128xf32, #tpu.memory_space<hbm>>, %arg6: memref<8192x256xf32, #tpu.memory_space<hbm>>, %arg7: memref<4x128xi32, #tpu.memory_space<vmem>>, %arg8: memref<128x128xf32, #tpu.memory_space<vmem>>, %arg9: memref<128x128xf32, #tpu.memory_space<vmem>>, %arg10: memref<!tpu.dma_semaphore, #tpu.memory_space<semaphore_mem>>, %arg11: memref<!tpu.dma_semaphore, #tpu.memory_space<semaphore_mem>>) attributes {dimension_semantics = [#tpu.dimension_semantics<core_parallel>, #tpu.dimension_semantics<subcore_parallel>], iteration_bounds = array<i64: 2, 16>, scalar_prefetch = 0 : i64, scratch_operands = 5 : i64, tpu.core_type = #tpu.core_type<sc_vector_subcore>, window_params = [{transform_indices = #map}, {transform_indices = #map}, {transform_indices = #map1}, {transform_indices = #map1}, {transform_indices = #map1}]} {
    %mul3A = arith.constant 2 : i32
    %mul3A_0 = arith.muli %arg1, %mul3A : i32
    %add3A = arith.addi %mul3A_0, %arg0 : i32
    %mul3A_1 = arith.constant 256 : i32
    %mul3A_2 = arith.muli %add3A, %mul3A_1 : i32
    "tpu.region"() ({
      %run_scoped3A = tpu.sem_alloc : memref<!tpu.dma_semaphore, #tpu.memory_space<semaphore_mem>>
      %dma_start3A_97 = arith.constant 0 : i32
      %dma_start3A_98 = arith.constant 0 : i32
      %dma_start3A_99 = tpu.memref_slice %arg7[%dma_start3A_97, %dma_start3A_98] : memref<4x128xi32, #tpu.memory_space<vmem>> -> memref<2x128xi32, #tpu.memory_space<vmem>>
      %dma_start3A_100 = arith.constant 0 : i32
      %dma_start3A_101 = arith.constant 0 : i32
      %dma_start3A_102 = tpu.memref_slice %arg2[%add3A, %dma_start3A_100, %dma_start3A_101] : memref<32x2x128xi32, #tpu.memory_space<hbm>> -> memref<1x2x128xi32, #tpu.memory_space<hbm>>
      %dma_start3A_103 = tpu.memref_squeeze %dma_start3A_102 : memref<1x2x128xi32, #tpu.memory_space<hbm>> -> memref<2x128xi32, #tpu.memory_space<hbm>>
      %dma_start3A_104 = arith.constant 0 : i32
      %dma_start3A_105 = arith.constant 0 : i32
      %dma_start3A_106 = tpu.memref_slice %arg7[%dma_start3A_104, %dma_start3A_105] : memref<4x128xi32, #tpu.memory_space<vmem>> -> memref<2x128xi32, #tpu.memory_space<vmem>>
      %dma_start3A_107 = arith.constant 0 : i32
      %dma_start3A_108 = arith.constant 0 : i32
      %dma_start3A_109 = tpu.memref_slice %arg2[%add3A, %dma_start3A_107, %dma_start3A_108] : memref<32x2x128xi32, #tpu.memory_space<hbm>> -> memref<1x2x128xi32, #tpu.memory_space<hbm>>
      %dma_start3A_110 = tpu.memref_squeeze %dma_start3A_109 : memref<1x2x128xi32, #tpu.memory_space<hbm>> -> memref<2x128xi32, #tpu.memory_space<hbm>>
      tpu.enqueue_dma source(%dma_start3A_110 : memref<2x128xi32, #tpu.memory_space<hbm>>) target(%dma_start3A_106 : memref<2x128xi32, #tpu.memory_space<vmem>>) target_semaphore(%run_scoped3A : memref<!tpu.dma_semaphore, #tpu.memory_space<semaphore_mem>>)
      %dma_wait3A_111 = arith.constant 0 : i32
      %dma_wait3A_112 = arith.constant 0 : i32
      %dma_wait3A_113 = tpu.memref_slice %arg7[%dma_wait3A_111, %dma_wait3A_112] : memref<4x128xi32, #tpu.memory_space<vmem>> -> memref<2x128xi32, #tpu.memory_space<vmem>>
      %dma_wait3A_114 = arith.constant 0 : i32
      %dma_wait3A_115 = arith.constant 0 : i32
      %dma_wait3A_116 = tpu.memref_slice %arg2[%add3A, %dma_wait3A_114, %dma_wait3A_115] : memref<32x2x128xi32, #tpu.memory_space<hbm>> -> memref<1x2x128xi32, #tpu.memory_space<hbm>>
      %dma_wait3A_117 = tpu.memref_squeeze %dma_wait3A_116 : memref<1x2x128xi32, #tpu.memory_space<hbm>> -> memref<2x128xi32, #tpu.memory_space<hbm>>
      %dma_wait3A_118 = arith.constant 0 : i32
      %dma_wait3A_119 = arith.constant 0 : i32
      %dma_wait3A_120 = tpu.memref_slice %arg7[%dma_wait3A_118, %dma_wait3A_119] : memref<4x128xi32, #tpu.memory_space<vmem>> -> memref<2x128xi32, #tpu.memory_space<vmem>>
      %dma_wait3A_121 = arith.constant 0 : i32
      %dma_wait3A_122 = arith.constant 0 : i32
      %dma_wait3A_123 = tpu.memref_slice %arg2[%add3A, %dma_wait3A_121, %dma_wait3A_122] : memref<32x2x128xi32, #tpu.memory_space<hbm>> -> memref<1x2x128xi32, #tpu.memory_space<hbm>>
      %dma_wait3A_124 = tpu.memref_squeeze %dma_wait3A_123 : memref<1x2x128xi32, #tpu.memory_space<hbm>> -> memref<2x128xi32, #tpu.memory_space<hbm>>
      tpu.wait_dma2 semaphore(%run_scoped3A : memref<!tpu.dma_semaphore, #tpu.memory_space<semaphore_mem>>) src(%dma_wait3A_124 : memref<2x128xi32, #tpu.memory_space<hbm>>) dst(%dma_wait3A_120 : memref<2x128xi32, #tpu.memory_space<vmem>>)
      tpu.yield
    }) : () -> ()
    "tpu.region"() ({
      %run_scoped3A = tpu.sem_alloc : memref<!tpu.dma_semaphore, #tpu.memory_space<semaphore_mem>>
      %dma_start3A_97 = arith.constant 2 : i32
      %dma_start3A_98 = arith.constant 0 : i32
      %dma_start3A_99 = tpu.memref_slice %arg7[%dma_start3A_97, %dma_start3A_98] : memref<4x128xi32, #tpu.memory_space<vmem>> -> memref<2x128xi32, #tpu.memory_space<vmem>>
      %dma_start3A_100 = arith.constant 0 : i32
      %dma_start3A_101 = arith.constant 0 : i32
      %dma_start3A_102 = tpu.memref_slice %arg3[%add3A, %dma_start3A_100, %dma_start3A_101] : memref<32x2x128xi32, #tpu.memory_space<hbm>> -> memref<1x2x128xi32, #tpu.memory_space<hbm>>
      %dma_start3A_103 = tpu.memref_squeeze %dma_start3A_102 : memref<1x2x128xi32, #tpu.memory_space<hbm>> -> memref<2x128xi32, #tpu.memory_space<hbm>>
      %dma_start3A_104 = arith.constant 2 : i32
      %dma_start3A_105 = arith.constant 0 : i32
      %dma_start3A_106 = tpu.memref_slice %arg7[%dma_start3A_104, %dma_start3A_105] : memref<4x128xi32, #tpu.memory_space<vmem>> -> memref<2x128xi32, #tpu.memory_space<vmem>>
      %dma_start3A_107 = arith.constant 0 : i32
      %dma_start3A_108 = arith.constant 0 : i32
      %dma_start3A_109 = tpu.memref_slice %arg3[%add3A, %dma_start3A_107, %dma_start3A_108] : memref<32x2x128xi32, #tpu.memory_space<hbm>> -> memref<1x2x128xi32, #tpu.memory_space<hbm>>
      %dma_start3A_110 = tpu.memref_squeeze %dma_start3A_109 : memref<1x2x128xi32, #tpu.memory_space<hbm>> -> memref<2x128xi32, #tpu.memory_space<hbm>>
      tpu.enqueue_dma source(%dma_start3A_110 : memref<2x128xi32, #tpu.memory_space<hbm>>) target(%dma_start3A_106 : memref<2x128xi32, #tpu.memory_space<vmem>>) target_semaphore(%run_scoped3A : memref<!tpu.dma_semaphore, #tpu.memory_space<semaphore_mem>>)
      %dma_wait3A_111 = arith.constant 2 : i32
      %dma_wait3A_112 = arith.constant 0 : i32
      %dma_wait3A_113 = tpu.memref_slice %arg7[%dma_wait3A_111, %dma_wait3A_112] : memref<4x128xi32, #tpu.memory_space<vmem>> -> memref<2x128xi32, #tpu.memory_space<vmem>>
      %dma_wait3A_114 = arith.constant 0 : i32
      %dma_wait3A_115 = arith.constant 0 : i32
      %dma_wait3A_116 = tpu.memref_slice %arg3[%add3A, %dma_wait3A_114, %dma_wait3A_115] : memref<32x2x128xi32, #tpu.memory_space<hbm>> -> memref<1x2x128xi32, #tpu.memory_space<hbm>>
      %dma_wait3A_117 = tpu.memref_squeeze %dma_wait3A_116 : memref<1x2x128xi32, #tpu.memory_space<hbm>> -> memref<2x128xi32, #tpu.memory_space<hbm>>
      %dma_wait3A_118 = arith.constant 2 : i32
      %dma_wait3A_119 = arith.constant 0 : i32
      %dma_wait3A_120 = tpu.memref_slice %arg7[%dma_wait3A_118, %dma_wait3A_119] : memref<4x128xi32, #tpu.memory_space<vmem>> -> memref<2x128xi32, #tpu.memory_space<vmem>>
      %dma_wait3A_121 = arith.constant 0 : i32
      %dma_wait3A_122 = arith.constant 0 : i32
      %dma_wait3A_123 = tpu.memref_slice %arg3[%add3A, %dma_wait3A_121, %dma_wait3A_122] : memref<32x2x128xi32, #tpu.memory_space<hbm>> -> memref<1x2x128xi32, #tpu.memory_space<hbm>>
      %dma_wait3A_124 = tpu.memref_squeeze %dma_wait3A_123 : memref<1x2x128xi32, #tpu.memory_space<hbm>> -> memref<2x128xi32, #tpu.memory_space<hbm>>
      tpu.wait_dma2 semaphore(%run_scoped3A : memref<!tpu.dma_semaphore, #tpu.memory_space<semaphore_mem>>) src(%dma_wait3A_124 : memref<2x128xi32, #tpu.memory_space<hbm>>) dst(%dma_wait3A_120 : memref<2x128xi32, #tpu.memory_space<vmem>>)
      tpu.yield
    }) : () -> ()
    %dma_start3A = arith.constant 0 : i32
    %dma_start3A_3 = arith.constant 0 : i32
    %dma_start3A_4 = tpu.memref_slice %arg7[%dma_start3A, %dma_start3A_3] : memref<4x128xi32, #tpu.memory_space<vmem>> -> memref<1x128xi32, #tpu.memory_space<vmem>>
    %dma_start3A_5 = tpu.memref_squeeze %dma_start3A_4 : memref<1x128xi32, #tpu.memory_space<vmem>> -> memref<128xi32, #tpu.memory_space<vmem>>
    %dma_start3A_6 = arith.constant 0 : i32
    %dma_start3A_7 = arith.constant 0 : i32
    %dma_start3A_8 = tpu.memref_slice %arg4[%dma_start3A_6, %dma_start3A_7] : memref<100000x128xf32, #tpu.memory_space<hbm>> -> memref<100000x128xf32, #tpu.memory_space<hbm>>
    tpu.enqueue_indirect_dma source(%dma_start3A_8 : memref<100000x128xf32, #tpu.memory_space<hbm>>) target(%arg8 : memref<128x128xf32, #tpu.memory_space<vmem>>) offsets(%dma_start3A_5 : memref<128xi32, #tpu.memory_space<vmem>>) semaphore(%arg10 : memref<!tpu.dma_semaphore, #tpu.memory_space<semaphore_mem>>)
    %dma_start3A_9 = arith.constant 1 : i32
    %dma_start3A_10 = arith.constant 0 : i32
    %dma_start3A_11 = tpu.memref_slice %arg7[%dma_start3A_9, %dma_start3A_10] : memref<4x128xi32, #tpu.memory_space<vmem>> -> memref<1x128xi32, #tpu.memory_space<vmem>>
    %dma_start3A_12 = tpu.memref_squeeze %dma_start3A_11 : memref<1x128xi32, #tpu.memory_space<vmem>> -> memref<128xi32, #tpu.memory_space<vmem>>
    %dma_start3A_13 = arith.constant 0 : i32
    %dma_start3A_14 = arith.constant 0 : i32
    %dma_start3A_15 = tpu.memref_slice %arg4[%dma_start3A_13, %dma_start3A_14] : memref<100000x128xf32, #tpu.memory_space<hbm>> -> memref<100000x128xf32, #tpu.memory_space<hbm>>
    tpu.enqueue_indirect_dma source(%dma_start3A_15 : memref<100000x128xf32, #tpu.memory_space<hbm>>) target(%arg9 : memref<128x128xf32, #tpu.memory_space<vmem>>) offsets(%dma_start3A_12 : memref<128xi32, #tpu.memory_space<vmem>>) semaphore(%arg10 : memref<!tpu.dma_semaphore, #tpu.memory_space<semaphore_mem>>)
    %dma_wait3A = arith.constant 0 : i32
    %dma_wait3A_16 = arith.constant 0 : i32
    %dma_wait3A_17 = tpu.memref_slice %arg7[%dma_wait3A, %dma_wait3A_16] : memref<4x128xi32, #tpu.memory_space<vmem>> -> memref<1x128xi32, #tpu.memory_space<vmem>>
    %dma_wait3A_18 = tpu.memref_squeeze %dma_wait3A_17 : memref<1x128xi32, #tpu.memory_space<vmem>> -> memref<128xi32, #tpu.memory_space<vmem>>
    %dma_wait3A_19 = arith.constant 0 : i32
    %dma_wait3A_20 = arith.constant 0 : i32
    %dma_wait3A_21 = tpu.memref_slice %arg4[%dma_wait3A_19, %dma_wait3A_20] : memref<100000x128xf32, #tpu.memory_space<hbm>> -> memref<100000x128xf32, #tpu.memory_space<hbm>>
    tpu.wait_indirect_dma semaphore(%arg10 : memref<!tpu.dma_semaphore, #tpu.memory_space<semaphore_mem>>) src(%dma_wait3A_21 : memref<100000x128xf32, #tpu.memory_space<hbm>>) dst(%arg8 : memref<128x128xf32, #tpu.memory_space<vmem>>)
    %add3A_22 = arith.constant 0 : i32
    %add3A_23 = arith.addi %mul3A_2, %add3A_22 : i32
    %dma_start3A_24 = arith.constant 0 : i32
    %dma_start3A_25 = tpu.memref_slice %arg6[%add3A_23, %dma_start3A_24] : memref<8192x256xf32, #tpu.memory_space<hbm>> -> memref<128x128xf32, #tpu.memory_space<hbm>>
    %dma_start3A_26 = arith.constant 0 : i32
    %dma_start3A_27 = tpu.memref_slice %arg6[%add3A_23, %dma_start3A_26] : memref<8192x256xf32, #tpu.memory_space<hbm>> -> memref<128x128xf32, #tpu.memory_space<hbm>>
    tpu.enqueue_dma source(%arg8 : memref<128x128xf32, #tpu.memory_space<vmem>>) target(%dma_start3A_27 : memref<128x128xf32, #tpu.memory_space<hbm>>) target_semaphore(%arg11 : memref<!tpu.dma_semaphore, #tpu.memory_space<semaphore_mem>>)
    %dma_wait3A_28 = arith.constant 0 : i32
    %dma_wait3A_29 = tpu.memref_slice %arg6[%add3A_23, %dma_wait3A_28] : memref<8192x256xf32, #tpu.memory_space<hbm>> -> memref<128x128xf32, #tpu.memory_space<hbm>>
    %dma_wait3A_30 = arith.constant 0 : i32
    %dma_wait3A_31 = tpu.memref_slice %arg6[%add3A_23, %dma_wait3A_30] : memref<8192x256xf32, #tpu.memory_space<hbm>> -> memref<128x128xf32, #tpu.memory_space<hbm>>
    tpu.wait_dma2 semaphore(%arg11 : memref<!tpu.dma_semaphore, #tpu.memory_space<semaphore_mem>>) src(%arg8 : memref<128x128xf32, #tpu.memory_space<vmem>>) dst(%dma_wait3A_31 : memref<128x128xf32, #tpu.memory_space<hbm>>)
    %dma_start3A_32 = arith.constant 2 : i32
    %dma_start3A_33 = arith.constant 0 : i32
    %dma_start3A_34 = tpu.memref_slice %arg7[%dma_start3A_32, %dma_start3A_33] : memref<4x128xi32, #tpu.memory_space<vmem>> -> memref<1x128xi32, #tpu.memory_space<vmem>>
    %dma_start3A_35 = tpu.memref_squeeze %dma_start3A_34 : memref<1x128xi32, #tpu.memory_space<vmem>> -> memref<128xi32, #tpu.memory_space<vmem>>
    %dma_start3A_36 = arith.constant 0 : i32
    %dma_start3A_37 = arith.constant 0 : i32
    %dma_start3A_38 = tpu.memref_slice %arg5[%dma_start3A_36, %dma_start3A_37] : memref<100000x128xf32, #tpu.memory_space<hbm>> -> memref<100000x128xf32, #tpu.memory_space<hbm>>
    tpu.enqueue_indirect_dma source(%dma_start3A_38 : memref<100000x128xf32, #tpu.memory_space<hbm>>) target(%arg8 : memref<128x128xf32, #tpu.memory_space<vmem>>) offsets(%dma_start3A_35 : memref<128xi32, #tpu.memory_space<vmem>>) semaphore(%arg10 : memref<!tpu.dma_semaphore, #tpu.memory_space<semaphore_mem>>)
    %dma_wait3A_39 = arith.constant 1 : i32
    %dma_wait3A_40 = arith.constant 0 : i32
    %dma_wait3A_41 = tpu.memref_slice %arg7[%dma_wait3A_39, %dma_wait3A_40] : memref<4x128xi32, #tpu.memory_space<vmem>> -> memref<1x128xi32, #tpu.memory_space<vmem>>
    %dma_wait3A_42 = tpu.memref_squeeze %dma_wait3A_41 : memref<1x128xi32, #tpu.memory_space<vmem>> -> memref<128xi32, #tpu.memory_space<vmem>>
    %dma_wait3A_43 = arith.constant 0 : i32
    %dma_wait3A_44 = arith.constant 0 : i32
    %dma_wait3A_45 = tpu.memref_slice %arg4[%dma_wait3A_43, %dma_wait3A_44] : memref<100000x128xf32, #tpu.memory_space<hbm>> -> memref<100000x128xf32, #tpu.memory_space<hbm>>
    tpu.wait_indirect_dma semaphore(%arg10 : memref<!tpu.dma_semaphore, #tpu.memory_space<semaphore_mem>>) src(%dma_wait3A_45 : memref<100000x128xf32, #tpu.memory_space<hbm>>) dst(%arg9 : memref<128x128xf32, #tpu.memory_space<vmem>>)
    %add3A_46 = arith.constant 128 : i32
    %add3A_47 = arith.addi %mul3A_2, %add3A_46 : i32
    %dma_start3A_48 = arith.constant 0 : i32
    %dma_start3A_49 = tpu.memref_slice %arg6[%add3A_47, %dma_start3A_48] : memref<8192x256xf32, #tpu.memory_space<hbm>> -> memref<128x128xf32, #tpu.memory_space<hbm>>
    %dma_start3A_50 = arith.constant 0 : i32
    %dma_start3A_51 = tpu.memref_slice %arg6[%add3A_47, %dma_start3A_50] : memref<8192x256xf32, #tpu.memory_space<hbm>> -> memref<128x128xf32, #tpu.memory_space<hbm>>
    tpu.enqueue_dma source(%arg9 : memref<128x128xf32, #tpu.memory_space<vmem>>) target(%dma_start3A_51 : memref<128x128xf32, #tpu.memory_space<hbm>>) target_semaphore(%arg11 : memref<!tpu.dma_semaphore, #tpu.memory_space<semaphore_mem>>)
    %dma_wait3A_52 = arith.constant 0 : i32
    %dma_wait3A_53 = tpu.memref_slice %arg6[%add3A_47, %dma_wait3A_52] : memref<8192x256xf32, #tpu.memory_space<hbm>> -> memref<128x128xf32, #tpu.memory_space<hbm>>
    %dma_wait3A_54 = arith.constant 0 : i32
    %dma_wait3A_55 = tpu.memref_slice %arg6[%add3A_47, %dma_wait3A_54] : memref<8192x256xf32, #tpu.memory_space<hbm>> -> memref<128x128xf32, #tpu.memory_space<hbm>>
    tpu.wait_dma2 semaphore(%arg11 : memref<!tpu.dma_semaphore, #tpu.memory_space<semaphore_mem>>) src(%arg9 : memref<128x128xf32, #tpu.memory_space<vmem>>) dst(%dma_wait3A_55 : memref<128x128xf32, #tpu.memory_space<hbm>>)
    %dma_start3A_56 = arith.constant 3 : i32
    %dma_start3A_57 = arith.constant 0 : i32
    %dma_start3A_58 = tpu.memref_slice %arg7[%dma_start3A_56, %dma_start3A_57] : memref<4x128xi32, #tpu.memory_space<vmem>> -> memref<1x128xi32, #tpu.memory_space<vmem>>
    %dma_start3A_59 = tpu.memref_squeeze %dma_start3A_58 : memref<1x128xi32, #tpu.memory_space<vmem>> -> memref<128xi32, #tpu.memory_space<vmem>>
    %dma_start3A_60 = arith.constant 0 : i32
    %dma_start3A_61 = arith.constant 0 : i32
    %dma_start3A_62 = tpu.memref_slice %arg5[%dma_start3A_60, %dma_start3A_61] : memref<100000x128xf32, #tpu.memory_space<hbm>> -> memref<100000x128xf32, #tpu.memory_space<hbm>>
    tpu.enqueue_indirect_dma source(%dma_start3A_62 : memref<100000x128xf32, #tpu.memory_space<hbm>>) target(%arg9 : memref<128x128xf32, #tpu.memory_space<vmem>>) offsets(%dma_start3A_59 : memref<128xi32, #tpu.memory_space<vmem>>) semaphore(%arg10 : memref<!tpu.dma_semaphore, #tpu.memory_space<semaphore_mem>>)
    %dma_wait3A_63 = arith.constant 2 : i32
    %dma_wait3A_64 = arith.constant 0 : i32
    %dma_wait3A_65 = tpu.memref_slice %arg7[%dma_wait3A_63, %dma_wait3A_64] : memref<4x128xi32, #tpu.memory_space<vmem>> -> memref<1x128xi32, #tpu.memory_space<vmem>>
    %dma_wait3A_66 = tpu.memref_squeeze %dma_wait3A_65 : memref<1x128xi32, #tpu.memory_space<vmem>> -> memref<128xi32, #tpu.memory_space<vmem>>
    %dma_wait3A_67 = arith.constant 0 : i32
    %dma_wait3A_68 = arith.constant 0 : i32
    %dma_wait3A_69 = tpu.memref_slice %arg5[%dma_wait3A_67, %dma_wait3A_68] : memref<100000x128xf32, #tpu.memory_space<hbm>> -> memref<100000x128xf32, #tpu.memory_space<hbm>>
    tpu.wait_indirect_dma semaphore(%arg10 : memref<!tpu.dma_semaphore, #tpu.memory_space<semaphore_mem>>) src(%dma_wait3A_69 : memref<100000x128xf32, #tpu.memory_space<hbm>>) dst(%arg8 : memref<128x128xf32, #tpu.memory_space<vmem>>)
    %add3A_70 = arith.constant 0 : i32
    %add3A_71 = arith.addi %mul3A_2, %add3A_70 : i32
    %dma_start3A_72 = arith.constant 128 : i32
    %dma_start3A_73 = tpu.memref_slice %arg6[%add3A_71, %dma_start3A_72] : memref<8192x256xf32, #tpu.memory_space<hbm>> -> memref<128x128xf32, #tpu.memory_space<hbm>>
    %dma_start3A_74 = arith.constant 128 : i32
    %dma_start3A_75 = tpu.memref_slice %arg6[%add3A_71, %dma_start3A_74] : memref<8192x256xf32, #tpu.memory_space<hbm>> -> memref<128x128xf32, #tpu.memory_space<hbm>>
    tpu.enqueue_dma source(%arg8 : memref<128x128xf32, #tpu.memory_space<vmem>>) target(%dma_start3A_75 : memref<128x128xf32, #tpu.memory_space<hbm>>) target_semaphore(%arg11 : memref<!tpu.dma_semaphore, #tpu.memory_space<semaphore_mem>>)
    %dma_wait3A_76 = arith.constant 3 : i32
    %dma_wait3A_77 = arith.constant 0 : i32
    %dma_wait3A_78 = tpu.memref_slice %arg7[%dma_wait3A_76, %dma_wait3A_77] : memref<4x128xi32, #tpu.memory_space<vmem>> -> memref<1x128xi32, #tpu.memory_space<vmem>>
    %dma_wait3A_79 = tpu.memref_squeeze %dma_wait3A_78 : memref<1x128xi32, #tpu.memory_space<vmem>> -> memref<128xi32, #tpu.memory_space<vmem>>
    %dma_wait3A_80 = arith.constant 0 : i32
    %dma_wait3A_81 = arith.constant 0 : i32
    %dma_wait3A_82 = tpu.memref_slice %arg5[%dma_wait3A_80, %dma_wait3A_81] : memref<100000x128xf32, #tpu.memory_space<hbm>> -> memref<100000x128xf32, #tpu.memory_space<hbm>>
    tpu.wait_indirect_dma semaphore(%arg10 : memref<!tpu.dma_semaphore, #tpu.memory_space<semaphore_mem>>) src(%dma_wait3A_82 : memref<100000x128xf32, #tpu.memory_space<hbm>>) dst(%arg9 : memref<128x128xf32, #tpu.memory_space<vmem>>)
    %add3A_83 = arith.constant 128 : i32
    %add3A_84 = arith.addi %mul3A_2, %add3A_83 : i32
    %dma_start3A_85 = arith.constant 128 : i32
    %dma_start3A_86 = tpu.memref_slice %arg6[%add3A_84, %dma_start3A_85] : memref<8192x256xf32, #tpu.memory_space<hbm>> -> memref<128x128xf32, #tpu.memory_space<hbm>>
    %dma_start3A_87 = arith.constant 128 : i32
    %dma_start3A_88 = tpu.memref_slice %arg6[%add3A_84, %dma_start3A_87] : memref<8192x256xf32, #tpu.memory_space<hbm>> -> memref<128x128xf32, #tpu.memory_space<hbm>>
    tpu.enqueue_dma source(%arg9 : memref<128x128xf32, #tpu.memory_space<vmem>>) target(%dma_start3A_88 : memref<128x128xf32, #tpu.memory_space<hbm>>) target_semaphore(%arg11 : memref<!tpu.dma_semaphore, #tpu.memory_space<semaphore_mem>>)
    %dma_wait3A_89 = arith.constant 128 : i32
    %dma_wait3A_90 = tpu.memref_slice %arg6[%add3A_71, %dma_wait3A_89] : memref<8192x256xf32, #tpu.memory_space<hbm>> -> memref<128x128xf32, #tpu.memory_space<hbm>>
    %dma_wait3A_91 = arith.constant 128 : i32
    %dma_wait3A_92 = tpu.memref_slice %arg6[%add3A_71, %dma_wait3A_91] : memref<8192x256xf32, #tpu.memory_space<hbm>> -> memref<128x128xf32, #tpu.memory_space<hbm>>
    tpu.wait_dma2 semaphore(%arg11 : memref<!tpu.dma_semaphore, #tpu.memory_space<semaphore_mem>>) src(%arg8 : memref<128x128xf32, #tpu.memory_space<vmem>>) dst(%dma_wait3A_92 : memref<128x128xf32, #tpu.memory_space<hbm>>)
    %dma_wait3A_93 = arith.constant 128 : i32
    %dma_wait3A_94 = tpu.memref_slice %arg6[%add3A_84, %dma_wait3A_93] : memref<8192x256xf32, #tpu.memory_space<hbm>> -> memref<128x128xf32, #tpu.memory_space<hbm>>
    %dma_wait3A_95 = arith.constant 128 : i32
    %dma_wait3A_96 = tpu.memref_slice %arg6[%add3A_84, %dma_wait3A_95] : memref<8192x256xf32, #tpu.memory_space<hbm>> -> memref<128x128xf32, #tpu.memory_space<hbm>>
    tpu.wait_dma2 semaphore(%arg11 : memref<!tpu.dma_semaphore, #tpu.memory_space<semaphore_mem>>) src(%arg9 : memref<128x128xf32, #tpu.memory_space<vmem>>) dst(%dma_wait3A_96 : memref<128x128xf32, #tpu.memory_space<hbm>>)
    return
  }
}

#map = affine_map<(d0, d1) -> (0, 0, 0)>
#map1 = affine_map<(d0, d1) -> (0, 0)>
module attributes {stable_mosaic.version = 14 : i64} {
  func.func @_sc_gather(%arg0: i32, %arg1: i32, %arg2: memref<32x2x128xi32, #tpu.memory_space<hbm>>, %arg3: memref<32x2x128xi32, #tpu.memory_space<hbm>>, %arg4: memref<100000x128xf32, #tpu.memory_space<hbm>>, %arg5: memref<100000x128xf32, #tpu.memory_space<hbm>>, %arg6: memref<8192x256xf32, #tpu.memory_space<hbm>>, %arg7: memref<4x128xi32, #tpu.memory_space<vmem>>, %arg8: memref<128x128xf32, #tpu.memory_space<vmem>>, %arg9: memref<128x128xf32, #tpu.memory_space<vmem>>, %arg10: memref<!tpu.dma_semaphore, #tpu.memory_space<semaphore_mem>>, %arg11: memref<!tpu.dma_semaphore, #tpu.memory_space<semaphore_mem>>) attributes {dimension_semantics = [#tpu.dimension_semantics<core_parallel>, #tpu.dimension_semantics<subcore_parallel>], iteration_bounds = array<i64: 2, 16>, scalar_prefetch = 0 : i64, scratch_operands = 5 : i64, tpu.core_type = #tpu.core_type<sc_vector_subcore>, window_params = [{transform_indices = #map}, {transform_indices = #map}, {transform_indices = #map1}, {transform_indices = #map1}, {transform_indices = #map1}]} {
    %mul3A = arith.constant 2 : i32
    %mul3A_0 = arith.muli %arg1, %mul3A : i32
    %add3A = arith.addi %mul3A_0, %arg0 : i32
    %mul3A_1 = arith.constant 256 : i32
    %mul3A_2 = arith.muli %add3A, %mul3A_1 : i32
    "tpu.region"() ({
      %run_scoped3A = tpu.sem_alloc : memref<!tpu.dma_semaphore, #tpu.memory_space<semaphore_mem>>
      %dma_start3A_97 = arith.constant 0 : i32
      %dma_start3A_98 = arith.constant 0 : i32
      %dma_start3A_99 = tpu.memref_slice %arg7[%dma_start3A_97, %dma_start3A_98] : memref<4x128xi32, #tpu.memory_space<vmem>> -> memref<2x128xi32, #tpu.memory_space<vmem>>
      %dma_start3A_100 = arith.constant 0 : i32
      %dma_start3A_101 = arith.constant 0 : i32
      %dma_start3A_102 = tpu.memref_slice %arg2[%add3A, %dma_start3A_100, %dma_start3A_101] : memref<32x2x128xi32, #tpu.memory_space<hbm>> -> memref<1x2x128xi32, #tpu.memory_space<hbm>>
      %dma_start3A_103 = tpu.memref_squeeze %dma_start3A_102 : memref<1x2x128xi32, #tpu.memory_space<hbm>> -> memref<2x128xi32, #tpu.memory_space<hbm>>
      %dma_start3A_104 = arith.constant 0 : i32
      %dma_start3A_105 = arith.constant 0 : i32
      %dma_start3A_106 = tpu.memref_slice %arg7[%dma_start3A_104, %dma_start3A_105] : memref<4x128xi32, #tpu.memory_space<vmem>> -> memref<2x128xi32, #tpu.memory_space<vmem>>
      %dma_start3A_107 = arith.constant 0 : i32
      %dma_start3A_108 = arith.constant 0 : i32
      %dma_start3A_109 = tpu.memref_slice %arg2[%add3A, %dma_start3A_107, %dma_start3A_108] : memref<32x2x128xi32, #tpu.memory_space<hbm>> -> memref<1x2x128xi32, #tpu.memory_space<hbm>>
      %dma_start3A_110 = tpu.memref_squeeze %dma_start3A_109 : memref<1x2x128xi32, #tpu.memory_space<hbm>> -> memref<2x128xi32, #tpu.memory_space<hbm>>
      tpu.enqueue_dma source(%dma_start3A_110 : memref<2x128xi32, #tpu.memory_space<hbm>>) target(%dma_start3A_106 : memref<2x128xi32, #tpu.memory_space<vmem>>) target_semaphore(%run_scoped3A : memref<!tpu.dma_semaphore, #tpu.memory_space<semaphore_mem>>)
      %dma_wait3A_111 = arith.constant 0 : i32
      %dma_wait3A_112 = arith.constant 0 : i32
      %dma_wait3A_113 = tpu.memref_slice %arg7[%dma_wait3A_111, %dma_wait3A_112] : memref<4x128xi32, #tpu.memory_space<vmem>> -> memref<2x128xi32, #tpu.memory_space<vmem>>
      %dma_wait3A_114 = arith.constant 0 : i32
      %dma_wait3A_115 = arith.constant 0 : i32
      %dma_wait3A_116 = tpu.memref_slice %arg2[%add3A, %dma_wait3A_114, %dma_wait3A_115] : memref<32x2x128xi32, #tpu.memory_space<hbm>> -> memref<1x2x128xi32, #tpu.memory_space<hbm>>
      %dma_wait3A_117 = tpu.memref_squeeze %dma_wait3A_116 : memref<1x2x128xi32, #tpu.memory_space<hbm>> -> memref<2x128xi32, #tpu.memory_space<hbm>>
      %dma_wait3A_118 = arith.constant 0 : i32
      %dma_wait3A_119 = arith.constant 0 : i32
      %dma_wait3A_120 = tpu.memref_slice %arg7[%dma_wait3A_118, %dma_wait3A_119] : memref<4x128xi32, #tpu.memory_space<vmem>> -> memref<2x128xi32, #tpu.memory_space<vmem>>
      %dma_wait3A_121 = arith.constant 0 : i32
      %dma_wait3A_122 = arith.constant 0 : i32
      %dma_wait3A_123 = tpu.memref_slice %arg2[%add3A, %dma_wait3A_121, %dma_wait3A_122] : memref<32x2x128xi32, #tpu.memory_space<hbm>> -> memref<1x2x128xi32, #tpu.memory_space<hbm>>
      %dma_wait3A_124 = tpu.memref_squeeze %dma_wait3A_123 : memref<1x2x128xi32, #tpu.memory_space<hbm>> -> memref<2x128xi32, #tpu.memory_space<hbm>>
      tpu.wait_dma2 semaphore(%run_scoped3A : memref<!tpu.dma_semaphore, #tpu.memory_space<semaphore_mem>>) src(%dma_wait3A_124 : memref<2x128xi32, #tpu.memory_space<hbm>>) dst(%dma_wait3A_120 : memref<2x128xi32, #tpu.memory_space<vmem>>)
      tpu.yield
    }) : () -> ()
    "tpu.region"() ({
      %run_scoped3A = tpu.sem_alloc : memref<!tpu.dma_semaphore, #tpu.memory_space<semaphore_mem>>
      %dma_start3A_97 = arith.constant 2 : i32
      %dma_start3A_98 = arith.constant 0 : i32
      %dma_start3A_99 = tpu.memref_slice %arg7[%dma_start3A_97, %dma_start3A_98] : memref<4x128xi32, #tpu.memory_space<vmem>> -> memref<2x128xi32, #tpu.memory_space<vmem>>
      %dma_start3A_100 = arith.constant 0 : i32
      %dma_start3A_101 = arith.constant 0 : i32
      %dma_start3A_102 = tpu.memref_slice %arg3[%add3A, %dma_start3A_100, %dma_start3A_101] : memref<32x2x128xi32, #tpu.memory_space<hbm>> -> memref<1x2x128xi32, #tpu.memory_space<hbm>>
      %dma_start3A_103 = tpu.memref_squeeze %dma_start3A_102 : memref<1x2x128xi32, #tpu.memory_space<hbm>> -> memref<2x128xi32, #tpu.memory_space<hbm>>
      %dma_start3A_104 = arith.constant 2 : i32
      %dma_start3A_105 = arith.constant 0 : i32
      %dma_start3A_106 = tpu.memref_slice %arg7[%dma_start3A_104, %dma_start3A_105] : memref<4x128xi32, #tpu.memory_space<vmem>> -> memref<2x128xi32, #tpu.memory_space<vmem>>
      %dma_start3A_107 = arith.constant 0 : i32
      %dma_start3A_108 = arith.constant 0 : i32
      %dma_start3A_109 = tpu.memref_slice %arg3[%add3A, %dma_start3A_107, %dma_start3A_108] : memref<32x2x128xi32, #tpu.memory_space<hbm>> -> memref<1x2x128xi32, #tpu.memory_space<hbm>>
      %dma_start3A_110 = tpu.memref_squeeze %dma_start3A_109 : memref<1x2x128xi32, #tpu.memory_space<hbm>> -> memref<2x128xi32, #tpu.memory_space<hbm>>
      tpu.enqueue_dma source(%dma_start3A_110 : memref<2x128xi32, #tpu.memory_space<hbm>>) target(%dma_start3A_106 : memref<2x128xi32, #tpu.memory_space<vmem>>) target_semaphore(%run_scoped3A : memref<!tpu.dma_semaphore, #tpu.memory_space<semaphore_mem>>)
      %dma_wait3A_111 = arith.constant 2 : i32
      %dma_wait3A_112 = arith.constant 0 : i32
      %dma_wait3A_113 = tpu.memref_slice %arg7[%dma_wait3A_111, %dma_wait3A_112] : memref<4x128xi32, #tpu.memory_space<vmem>> -> memref<2x128xi32, #tpu.memory_space<vmem>>
      %dma_wait3A_114 = arith.constant 0 : i32
      %dma_wait3A_115 = arith.constant 0 : i32
      %dma_wait3A_116 = tpu.memref_slice %arg3[%add3A, %dma_wait3A_114, %dma_wait3A_115] : memref<32x2x128xi32, #tpu.memory_space<hbm>> -> memref<1x2x128xi32, #tpu.memory_space<hbm>>
      %dma_wait3A_117 = tpu.memref_squeeze %dma_wait3A_116 : memref<1x2x128xi32, #tpu.memory_space<hbm>> -> memref<2x128xi32, #tpu.memory_space<hbm>>
      %dma_wait3A_118 = arith.constant 2 : i32
      %dma_wait3A_119 = arith.constant 0 : i32
      %dma_wait3A_120 = tpu.memref_slice %arg7[%dma_wait3A_118, %dma_wait3A_119] : memref<4x128xi32, #tpu.memory_space<vmem>> -> memref<2x128xi32, #tpu.memory_space<vmem>>
      %dma_wait3A_121 = arith.constant 0 : i32
      %dma_wait3A_122 = arith.constant 0 : i32
      %dma_wait3A_123 = tpu.memref_slice %arg3[%add3A, %dma_wait3A_121, %dma_wait3A_122] : memref<32x2x128xi32, #tpu.memory_space<hbm>> -> memref<1x2x128xi32, #tpu.memory_space<hbm>>
      %dma_wait3A_124 = tpu.memref_squeeze %dma_wait3A_123 : memref<1x2x128xi32, #tpu.memory_space<hbm>> -> memref<2x128xi32, #tpu.memory_space<hbm>>
      tpu.wait_dma2 semaphore(%run_scoped3A : memref<!tpu.dma_semaphore, #tpu.memory_space<semaphore_mem>>) src(%dma_wait3A_124 : memref<2x128xi32, #tpu.memory_space<hbm>>) dst(%dma_wait3A_120 : memref<2x128xi32, #tpu.memory_space<vmem>>)
      tpu.yield
    }) : () -> ()
    %dma_start3A = arith.constant 0 : i32
    %dma_start3A_3 = arith.constant 0 : i32
    %dma_start3A_4 = tpu.memref_slice %arg7[%dma_start3A, %dma_start3A_3] : memref<4x128xi32, #tpu.memory_space<vmem>> -> memref<1x128xi32, #tpu.memory_space<vmem>>
    %dma_start3A_5 = tpu.memref_squeeze %dma_start3A_4 : memref<1x128xi32, #tpu.memory_space<vmem>> -> memref<128xi32, #tpu.memory_space<vmem>>
    %dma_start3A_6 = arith.constant 0 : i32
    %dma_start3A_7 = arith.constant 0 : i32
    %dma_start3A_8 = tpu.memref_slice %arg4[%dma_start3A_6, %dma_start3A_7] : memref<100000x128xf32, #tpu.memory_space<hbm>> -> memref<100000x128xf32, #tpu.memory_space<hbm>>
    tpu.enqueue_indirect_dma source(%dma_start3A_8 : memref<100000x128xf32, #tpu.memory_space<hbm>>) target(%arg8 : memref<128x128xf32, #tpu.memory_space<vmem>>) offsets(%dma_start3A_5 : memref<128xi32, #tpu.memory_space<vmem>>) semaphore(%arg10 : memref<!tpu.dma_semaphore, #tpu.memory_space<semaphore_mem>>)
    %dma_start3A_9 = arith.constant 1 : i32
    %dma_start3A_10 = arith.constant 0 : i32
    %dma_start3A_11 = tpu.memref_slice %arg7[%dma_start3A_9, %dma_start3A_10] : memref<4x128xi32, #tpu.memory_space<vmem>> -> memref<1x128xi32, #tpu.memory_space<vmem>>
    %dma_start3A_12 = tpu.memref_squeeze %dma_start3A_11 : memref<1x128xi32, #tpu.memory_space<vmem>> -> memref<128xi32, #tpu.memory_space<vmem>>
    %dma_start3A_13 = arith.constant 0 : i32
    %dma_start3A_14 = arith.constant 0 : i32
    %dma_start3A_15 = tpu.memref_slice %arg4[%dma_start3A_13, %dma_start3A_14] : memref<100000x128xf32, #tpu.memory_space<hbm>> -> memref<100000x128xf32, #tpu.memory_space<hbm>>
    tpu.enqueue_indirect_dma source(%dma_start3A_15 : memref<100000x128xf32, #tpu.memory_space<hbm>>) target(%arg9 : memref<128x128xf32, #tpu.memory_space<vmem>>) offsets(%dma_start3A_12 : memref<128xi32, #tpu.memory_space<vmem>>) semaphore(%arg10 : memref<!tpu.dma_semaphore, #tpu.memory_space<semaphore_mem>>)
    %dma_wait3A = arith.constant 0 : i32
    %dma_wait3A_16 = arith.constant 0 : i32
    %dma_wait3A_17 = tpu.memref_slice %arg7[%dma_wait3A, %dma_wait3A_16] : memref<4x128xi32, #tpu.memory_space<vmem>> -> memref<1x128xi32, #tpu.memory_space<vmem>>
    %dma_wait3A_18 = tpu.memref_squeeze %dma_wait3A_17 : memref<1x128xi32, #tpu.memory_space<vmem>> -> memref<128xi32, #tpu.memory_space<vmem>>
    %dma_wait3A_19 = arith.constant 0 : i32
    %dma_wait3A_20 = arith.constant 0 : i32
    %dma_wait3A_21 = tpu.memref_slice %arg4[%dma_wait3A_19, %dma_wait3A_20] : memref<100000x128xf32, #tpu.memory_space<hbm>> -> memref<100000x128xf32, #tpu.memory_space<hbm>>
    tpu.wait_indirect_dma semaphore(%arg10 : memref<!tpu.dma_semaphore, #tpu.memory_space<semaphore_mem>>) src(%dma_wait3A_21 : memref<100000x128xf32, #tpu.memory_space<hbm>>) dst(%arg8 : memref<128x128xf32, #tpu.memory_space<vmem>>)
    %add3A_22 = arith.constant 0 : i32
    %add3A_23 = arith.addi %mul3A_2, %add3A_22 : i32
    %dma_start3A_24 = arith.constant 0 : i32
    %dma_start3A_25 = tpu.memref_slice %arg6[%add3A_23, %dma_start3A_24] : memref<8192x256xf32, #tpu.memory_space<hbm>> -> memref<128x128xf32, #tpu.memory_space<hbm>>
    %dma_start3A_26 = arith.constant 0 : i32
    %dma_start3A_27 = tpu.memref_slice %arg6[%add3A_23, %dma_start3A_26] : memref<8192x256xf32, #tpu.memory_space<hbm>> -> memref<128x128xf32, #tpu.memory_space<hbm>>
    tpu.enqueue_dma source(%arg8 : memref<128x128xf32, #tpu.memory_space<vmem>>) target(%dma_start3A_27 : memref<128x128xf32, #tpu.memory_space<hbm>>) target_semaphore(%arg11 : memref<!tpu.dma_semaphore, #tpu.memory_space<semaphore_mem>>)
    %dma_wait3A_28 = arith.constant 0 : i32
    %dma_wait3A_29 = tpu.memref_slice %arg6[%add3A_23, %dma_wait3A_28] : memref<8192x256xf32, #tpu.memory_space<hbm>> -> memref<128x128xf32, #tpu.memory_space<hbm>>
    %dma_wait3A_30 = arith.constant 0 : i32
    %dma_wait3A_31 = tpu.memref_slice %arg6[%add3A_23, %dma_wait3A_30] : memref<8192x256xf32, #tpu.memory_space<hbm>> -> memref<128x128xf32, #tpu.memory_space<hbm>>
    tpu.wait_dma2 semaphore(%arg11 : memref<!tpu.dma_semaphore, #tpu.memory_space<semaphore_mem>>) src(%arg8 : memref<128x128xf32, #tpu.memory_space<vmem>>) dst(%dma_wait3A_31 : memref<128x128xf32, #tpu.memory_space<hbm>>)
    %dma_start3A_32 = arith.constant 2 : i32
    %dma_start3A_33 = arith.constant 0 : i32
    %dma_start3A_34 = tpu.memref_slice %arg7[%dma_start3A_32, %dma_start3A_33] : memref<4x128xi32, #tpu.memory_space<vmem>> -> memref<1x128xi32, #tpu.memory_space<vmem>>
    %dma_start3A_35 = tpu.memref_squeeze %dma_start3A_34 : memref<1x128xi32, #tpu.memory_space<vmem>> -> memref<128xi32, #tpu.memory_space<vmem>>
    %dma_start3A_36 = arith.constant 0 : i32
    %dma_start3A_37 = arith.constant 0 : i32
    %dma_start3A_38 = tpu.memref_slice %arg5[%dma_start3A_36, %dma_start3A_37] : memref<100000x128xf32, #tpu.memory_space<hbm>> -> memref<100000x128xf32, #tpu.memory_space<hbm>>
    tpu.enqueue_indirect_dma source(%dma_start3A_38 : memref<100000x128xf32, #tpu.memory_space<hbm>>) target(%arg8 : memref<128x128xf32, #tpu.memory_space<vmem>>) offsets(%dma_start3A_35 : memref<128xi32, #tpu.memory_space<vmem>>) semaphore(%arg10 : memref<!tpu.dma_semaphore, #tpu.memory_space<semaphore_mem>>)
    %dma_wait3A_39 = arith.constant 1 : i32
    %dma_wait3A_40 = arith.constant 0 : i32
    %dma_wait3A_41 = tpu.memref_slice %arg7[%dma_wait3A_39, %dma_wait3A_40] : memref<4x128xi32, #tpu.memory_space<vmem>> -> memref<1x128xi32, #tpu.memory_space<vmem>>
    %dma_wait3A_42 = tpu.memref_squeeze %dma_wait3A_41 : memref<1x128xi32, #tpu.memory_space<vmem>> -> memref<128xi32, #tpu.memory_space<vmem>>
    %dma_wait3A_43 = arith.constant 0 : i32
    %dma_wait3A_44 = arith.constant 0 : i32
    %dma_wait3A_45 = tpu.memref_slice %arg4[%dma_wait3A_43, %dma_wait3A_44] : memref<100000x128xf32, #tpu.memory_space<hbm>> -> memref<100000x128xf32, #tpu.memory_space<hbm>>
    tpu.wait_indirect_dma semaphore(%arg10 : memref<!tpu.dma_semaphore, #tpu.memory_space<semaphore_mem>>) src(%dma_wait3A_45 : memref<100000x128xf32, #tpu.memory_space<hbm>>) dst(%arg9 : memref<128x128xf32, #tpu.memory_space<vmem>>)
    %add3A_46 = arith.constant 128 : i32
    %add3A_47 = arith.addi %mul3A_2, %add3A_46 : i32
    %dma_start3A_48 = arith.constant 0 : i32
    %dma_start3A_49 = tpu.memref_slice %arg6[%add3A_47, %dma_start3A_48] : memref<8192x256xf32, #tpu.memory_space<hbm>> -> memref<128x128xf32, #tpu.memory_space<hbm>>
    %dma_start3A_50 = arith.constant 0 : i32
    %dma_start3A_51 = tpu.memref_slice %arg6[%add3A_47, %dma_start3A_50] : memref<8192x256xf32, #tpu.memory_space<hbm>> -> memref<128x128xf32, #tpu.memory_space<hbm>>
    tpu.enqueue_dma source(%arg9 : memref<128x128xf32, #tpu.memory_space<vmem>>) target(%dma_start3A_51 : memref<128x128xf32, #tpu.memory_space<hbm>>) target_semaphore(%arg11 : memref<!tpu.dma_semaphore, #tpu.memory_space<semaphore_mem>>)
    %dma_wait3A_52 = arith.constant 0 : i32
    %dma_wait3A_53 = tpu.memref_slice %arg6[%add3A_47, %dma_wait3A_52] : memref<8192x256xf32, #tpu.memory_space<hbm>> -> memref<128x128xf32, #tpu.memory_space<hbm>>
    %dma_wait3A_54 = arith.constant 0 : i32
    %dma_wait3A_55 = tpu.memref_slice %arg6[%add3A_47, %dma_wait3A_54] : memref<8192x256xf32, #tpu.memory_space<hbm>> -> memref<128x128xf32, #tpu.memory_space<hbm>>
    tpu.wait_dma2 semaphore(%arg11 : memref<!tpu.dma_semaphore, #tpu.memory_space<semaphore_mem>>) src(%arg9 : memref<128x128xf32, #tpu.memory_space<vmem>>) dst(%dma_wait3A_55 : memref<128x128xf32, #tpu.memory_space<hbm>>)
    %dma_start3A_56 = arith.constant 3 : i32
    %dma_start3A_57 = arith.constant 0 : i32
    %dma_start3A_58 = tpu.memref_slice %arg7[%dma_start3A_56, %dma_start3A_57] : memref<4x128xi32, #tpu.memory_space<vmem>> -> memref<1x128xi32, #tpu.memory_space<vmem>>
    %dma_start3A_59 = tpu.memref_squeeze %dma_start3A_58 : memref<1x128xi32, #tpu.memory_space<vmem>> -> memref<128xi32, #tpu.memory_space<vmem>>
    %dma_start3A_60 = arith.constant 0 : i32
    %dma_start3A_61 = arith.constant 0 : i32
    %dma_start3A_62 = tpu.memref_slice %arg5[%dma_start3A_60, %dma_start3A_61] : memref<100000x128xf32, #tpu.memory_space<hbm>> -> memref<100000x128xf32, #tpu.memory_space<hbm>>
    tpu.enqueue_indirect_dma source(%dma_start3A_62 : memref<100000x128xf32, #tpu.memory_space<hbm>>) target(%arg9 : memref<128x128xf32, #tpu.memory_space<vmem>>) offsets(%dma_start3A_59 : memref<128xi32, #tpu.memory_space<vmem>>) semaphore(%arg10 : memref<!tpu.dma_semaphore, #tpu.memory_space<semaphore_mem>>)
    %dma_wait3A_63 = arith.constant 2 : i32
    %dma_wait3A_64 = arith.constant 0 : i32
    %dma_wait3A_65 = tpu.memref_slice %arg7[%dma_wait3A_63, %dma_wait3A_64] : memref<4x128xi32, #tpu.memory_space<vmem>> -> memref<1x128xi32, #tpu.memory_space<vmem>>
    %dma_wait3A_66 = tpu.memref_squeeze %dma_wait3A_65 : memref<1x128xi32, #tpu.memory_space<vmem>> -> memref<128xi32, #tpu.memory_space<vmem>>
    %dma_wait3A_67 = arith.constant 0 : i32
    %dma_wait3A_68 = arith.constant 0 : i32
    %dma_wait3A_69 = tpu.memref_slice %arg5[%dma_wait3A_67, %dma_wait3A_68] : memref<100000x128xf32, #tpu.memory_space<hbm>> -> memref<100000x128xf32, #tpu.memory_space<hbm>>
    tpu.wait_indirect_dma semaphore(%arg10 : memref<!tpu.dma_semaphore, #tpu.memory_space<semaphore_mem>>) src(%dma_wait3A_69 : memref<100000x128xf32, #tpu.memory_space<hbm>>) dst(%arg8 : memref<128x128xf32, #tpu.memory_space<vmem>>)
    %add3A_70 = arith.constant 0 : i32
    %add3A_71 = arith.addi %mul3A_2, %add3A_70 : i32
    %dma_start3A_72 = arith.constant 128 : i32
    %dma_start3A_73 = tpu.memref_slice %arg6[%add3A_71, %dma_start3A_72] : memref<8192x256xf32, #tpu.memory_space<hbm>> -> memref<128x128xf32, #tpu.memory_space<hbm>>
    %dma_start3A_74 = arith.constant 128 : i32
    %dma_start3A_75 = tpu.memref_slice %arg6[%add3A_71, %dma_start3A_74] : memref<8192x256xf32, #tpu.memory_space<hbm>> -> memref<128x128xf32, #tpu.memory_space<hbm>>
    tpu.enqueue_dma source(%arg8 : memref<128x128xf32, #tpu.memory_space<vmem>>) target(%dma_start3A_75 : memref<128x128xf32, #tpu.memory_space<hbm>>) target_semaphore(%arg11 : memref<!tpu.dma_semaphore, #tpu.memory_space<semaphore_mem>>)
    %dma_wait3A_76 = arith.constant 3 : i32
    %dma_wait3A_77 = arith.constant 0 : i32
    %dma_wait3A_78 = tpu.memref_slice %arg7[%dma_wait3A_76, %dma_wait3A_77] : memref<4x128xi32, #tpu.memory_space<vmem>> -> memref<1x128xi32, #tpu.memory_space<vmem>>
    %dma_wait3A_79 = tpu.memref_squeeze %dma_wait3A_78 : memref<1x128xi32, #tpu.memory_space<vmem>> -> memref<128xi32, #tpu.memory_space<vmem>>
    %dma_wait3A_80 = arith.constant 0 : i32
    %dma_wait3A_81 = arith.constant 0 : i32
    %dma_wait3A_82 = tpu.memref_slice %arg5[%dma_wait3A_80, %dma_wait3A_81] : memref<100000x128xf32, #tpu.memory_space<hbm>> -> memref<100000x128xf32, #tpu.memory_space<hbm>>
    tpu.wait_indirect_dma semaphore(%arg10 : memref<!tpu.dma_semaphore, #tpu.memory_space<semaphore_mem>>) src(%dma_wait3A_82 : memref<100000x128xf32, #tpu.memory_space<hbm>>) dst(%arg9 : memref<128x128xf32, #tpu.memory_space<vmem>>)
    %add3A_83 = arith.constant 128 : i32
    %add3A_84 = arith.addi %mul3A_2, %add3A_83 : i32
    %dma_start3A_85 = arith.constant 128 : i32
    %dma_start3A_86 = tpu.memref_slice %arg6[%add3A_84, %dma_start3A_85] : memref<8192x256xf32, #tpu.memory_space<hbm>> -> memref<128x128xf32, #tpu.memory_space<hbm>>
    %dma_start3A_87 = arith.constant 128 : i32
    %dma_start3A_88 = tpu.memref_slice %arg6[%add3A_84, %dma_start3A_87] : memref<8192x256xf32, #tpu.memory_space<hbm>> -> memref<128x128xf32, #tpu.memory_space<hbm>>
    tpu.enqueue_dma source(%arg9 : memref<128x128xf32, #tpu.memory_space<vmem>>) target(%dma_start3A_88 : memref<128x128xf32, #tpu.memory_space<hbm>>) target_semaphore(%arg11 : memref<!tpu.dma_semaphore, #tpu.memory_space<semaphore_mem>>)
    %dma_wait3A_89 = arith.constant 128 : i32
    %dma_wait3A_90 = tpu.memref_slice %arg6[%add3A_71, %dma_wait3A_89] : memref<8192x256xf32, #tpu.memory_space<hbm>> -> memref<128x128xf32, #tpu.memory_space<hbm>>
    %dma_wait3A_91 = arith.constant 128 : i32
    %dma_wait3A_92 = tpu.memref_slice %arg6[%add3A_71, %dma_wait3A_91] : memref<8192x256xf32, #tpu.memory_space<hbm>> -> memref<128x128xf32, #tpu.memory_space<hbm>>
    tpu.wait_dma2 semaphore(%arg11 : memref<!tpu.dma_semaphore, #tpu.memory_space<semaphore_mem>>) src(%arg8 : memref<128x128xf32, #tpu.memory_space<vmem>>) dst(%dma_wait3A_92 : memref<128x128xf32, #tpu.memory_space<hbm>>)
    %dma_wait3A_93 = arith.constant 128 : i32
    %dma_wait3A_94 = tpu.memref_slice %arg6[%add3A_84, %dma_wait3A_93] : memref<8192x256xf32, #tpu.memory_space<hbm>> -> memref<128x128xf32, #tpu.memory_space<hbm>>
    %dma_wait3A_95 = arith.constant 128 : i32
    %dma_wait3A_96 = tpu.memref_slice %arg6[%add3A_84, %dma_wait3A_95] : memref<8192x256xf32, #tpu.memory_space<hbm>> -> memref<128x128xf32, #tpu.memory_space<hbm>>
    tpu.wait_dma2 semaphore(%arg11 : memref<!tpu.dma_semaphore, #tpu.memory_space<semaphore_mem>>) src(%arg9 : memref<128x128xf32, #tpu.memory_space<vmem>>) dst(%dma_wait3A_96 : memref<128x128xf32, #tpu.memory_space<hbm>>)
    return
  }
}

module attributes {stable_mosaic.version = 14 : i64} {
  func.func @_mlp_body(%arg0: i32, %arg1: memref<4096x256xf32, #tpu.memory_space<vmem>>, %arg2: memref<1024x256xbf16, #tpu.memory_space<vmem>>, %arg3: memref<1x1024xbf16, #tpu.memory_space<vmem>>, %arg4: memref<512x1024xbf16, #tpu.memory_space<vmem>>, %arg5: memref<1x512xbf16, #tpu.memory_space<vmem>>, %arg6: memref<256x512xbf16, #tpu.memory_space<vmem>>, %arg7: memref<1x256xbf16, #tpu.memory_space<vmem>>, %arg8: memref<1x256xf32, #tpu.memory_space<vmem>>, %arg9: memref<1x1xf32, #tpu.memory_space<vmem>>, %arg10: memref<32x128xf32, #tpu.memory_space<vmem>>) attributes {dimension_semantics = [#tpu.dimension_semantics<arbitrary>], iteration_bounds = array<i64: 2>, scalar_prefetch = 0 : i64, scratch_operands = 0 : i64, tpu.core_type = #tpu.core_type<tc>, window_params = [{transform_indices = @transform_0, window_bounds = array<i64: 4096, 256>}, {pipeline_mode = #tpu.pipeline_mode<synchronous>, transform_indices = @transform_1, window_bounds = array<i64: 1024, 256>}, {pipeline_mode = #tpu.pipeline_mode<synchronous>, transform_indices = @transform_2, window_bounds = array<i64: 1, 1024>}, {pipeline_mode = #tpu.pipeline_mode<synchronous>, transform_indices = @transform_3, window_bounds = array<i64: 512, 1024>}, {pipeline_mode = #tpu.pipeline_mode<synchronous>, transform_indices = @transform_4, window_bounds = array<i64: 1, 512>}, {pipeline_mode = #tpu.pipeline_mode<synchronous>, transform_indices = @transform_5, window_bounds = array<i64: 256, 512>}, {pipeline_mode = #tpu.pipeline_mode<synchronous>, transform_indices = @transform_6, window_bounds = array<i64: 1, 256>}, {pipeline_mode = #tpu.pipeline_mode<synchronous>, transform_indices = @transform_7, window_bounds = array<i64: 1, 256>}, {pipeline_mode = #tpu.pipeline_mode<synchronous>, transform_indices = @transform_8, window_bounds = array<i64: 1, 1>}, {transform_indices = @transform_9, window_bounds = array<i64: 32, 128>}]} {
    %get3A = arith.constant 0 : index
    %get3A_0 = arith.constant 0 : index
    %get3A_1 = vector.load %arg1[%get3A, %get3A_0] : memref<4096x256xf32, #tpu.memory_space<vmem>>, vector<4096x256xf32>
    %convert_element_type3A = arith.truncf %get3A_1 : vector<4096x256xf32> to vector<4096x256xbf16>
    %get3A_2 = arith.constant 0 : index
    %get3A_3 = arith.constant 0 : index
    %get3A_4 = vector.load %arg2[%get3A_2, %get3A_3] : memref<1024x256xbf16, #tpu.memory_space<vmem>>, vector<1024x256xbf16>
    %dot_general3A = arith.constant dense<0.000000e+00> : vector<4096x1024xf32>
    %dot_general3A_5 = tpu.matmul %convert_element_type3A, %get3A_4, %dot_general3A {dimension_numbers = #tpu.dot_dimension_numbers<[1], [1], [0], [0], [0, 0, 1, 0], [], []>, transpose_lhs_hint = false} : vector<4096x256xbf16>, vector<1024x256xbf16>, vector<4096x1024xf32> -> vector<4096x1024xf32>
    %get3A_6 = arith.constant 0 : index
    %get3A_7 = arith.constant 0 : index
    %get3A_8 = vector.load %arg3[%get3A_6, %get3A_7] : memref<1x1024xbf16, #tpu.memory_space<vmem>>, vector<1x1024xbf16>
    %convert_element_type3A_9 = arith.extf %get3A_8 : vector<1x1024xbf16> to vector<1x1024xf32>
    %add3A = vector.broadcast %convert_element_type3A_9 : vector<1x1024xf32> to vector<4096x1024xf32>
    %add3A_10 = arith.addf %dot_general3A_5, %add3A : vector<4096x1024xf32>
    %max3A = arith.constant 0.000000e+00 : f32
    %max3A_11 = vector.broadcast %max3A : f32 to vector<4096x1024xf32>
    %max3A_12 = arith.maximumf %add3A_10, %max3A_11 : vector<4096x1024xf32>
    %convert_element_type3A_13 = arith.truncf %max3A_12 : vector<4096x1024xf32> to vector<4096x1024xbf16>
    %get3A_14 = arith.constant 0 : index
    %get3A_15 = arith.constant 0 : index
    %get3A_16 = vector.load %arg4[%get3A_14, %get3A_15] : memref<512x1024xbf16, #tpu.memory_space<vmem>>, vector<512x1024xbf16>
    %dot_general3A_17 = arith.constant dense<0.000000e+00> : vector<4096x512xf32>
    %dot_general3A_18 = tpu.matmul %convert_element_type3A_13, %get3A_16, %dot_general3A_17 {dimension_numbers = #tpu.dot_dimension_numbers<[1], [1], [0], [0], [0, 0, 1, 0], [], []>, transpose_lhs_hint = false} : vector<4096x1024xbf16>, vector<512x1024xbf16>, vector<4096x512xf32> -> vector<4096x512xf32>
    %get3A_19 = arith.constant 0 : index
    %get3A_20 = arith.constant 0 : index
    %get3A_21 = vector.load %arg5[%get3A_19, %get3A_20] : memref<1x512xbf16, #tpu.memory_space<vmem>>, vector<1x512xbf16>
    %convert_element_type3A_22 = arith.extf %get3A_21 : vector<1x512xbf16> to vector<1x512xf32>
    %add3A_23 = vector.broadcast %convert_element_type3A_22 : vector<1x512xf32> to vector<4096x512xf32>
    %add3A_24 = arith.addf %dot_general3A_18, %add3A_23 : vector<4096x512xf32>
    %max3A_25 = arith.constant 0.000000e+00 : f32
    %max3A_26 = vector.broadcast %max3A_25 : f32 to vector<4096x512xf32>
    %max3A_27 = arith.maximumf %add3A_24, %max3A_26 : vector<4096x512xf32>
    %convert_element_type3A_28 = arith.truncf %max3A_27 : vector<4096x512xf32> to vector<4096x512xbf16>
    %get3A_29 = arith.constant 0 : index
    %get3A_30 = arith.constant 0 : index
    %get3A_31 = vector.load %arg6[%get3A_29, %get3A_30] : memref<256x512xbf16, #tpu.memory_space<vmem>>, vector<256x512xbf16>
    %dot_general3A_32 = arith.constant dense<0.000000e+00> : vector<4096x256xf32>
    %dot_general3A_33 = tpu.matmul %convert_element_type3A_28, %get3A_31, %dot_general3A_32 {dimension_numbers = #tpu.dot_dimension_numbers<[1], [1], [0], [0], [0, 0, 1, 0], [], []>, transpose_lhs_hint = false} : vector<4096x512xbf16>, vector<256x512xbf16>, vector<4096x256xf32> -> vector<4096x256xf32>
    %get3A_34 = arith.constant 0 : index
    %get3A_35 = arith.constant 0 : index
    %get3A_36 = vector.load %arg7[%get3A_34, %get3A_35] : memref<1x256xbf16, #tpu.memory_space<vmem>>, vector<1x256xbf16>
    %convert_element_type3A_37 = arith.extf %get3A_36 : vector<1x256xbf16> to vector<1x256xf32>
    %add3A_38 = vector.broadcast %convert_element_type3A_37 : vector<1x256xf32> to vector<4096x256xf32>
    %add3A_39 = arith.addf %dot_general3A_33, %add3A_38 : vector<4096x256xf32>
    %max3A_40 = arith.constant 0.000000e+00 : f32
    %max3A_41 = vector.broadcast %max3A_40 : f32 to vector<4096x256xf32>
    %max3A_42 = arith.maximumf %add3A_39, %max3A_41 : vector<4096x256xf32>
    %convert_element_type3A_43 = arith.truncf %max3A_42 : vector<4096x256xf32> to vector<4096x256xbf16>
    %get3A_44 = arith.constant 0 : index
    %get3A_45 = arith.constant 0 : index
    %get3A_46 = vector.load %arg8[%get3A_44, %get3A_45] : memref<1x256xf32, #tpu.memory_space<vmem>>, vector<1x256xf32>
    %convert_element_type3A_47 = arith.truncf %get3A_46 : vector<1x256xf32> to vector<1x256xbf16>
    %dot_general3A_48 = arith.constant dense<0.000000e+00> : vector<1x4096xf32>
    %dot_general3A_49 = tpu.matmul %convert_element_type3A_47, %convert_element_type3A_43, %dot_general3A_48 {dimension_numbers = #tpu.dot_dimension_numbers<[1], [1], [0], [0], [0, 0, 1, 0], [], []>, transpose_lhs_hint = false} : vector<1x256xbf16>, vector<4096x256xbf16>, vector<1x4096xf32> -> vector<1x4096xf32>
    %get3A_50 = arith.constant 0 : index
    %get3A_51 = arith.constant 0 : index
    %get3A_52 = vector.load %arg9[%get3A_50, %get3A_51] : memref<1x1xf32, #tpu.memory_space<vmem>>, vector<1x1xf32>
    %get3A_53 = vector.extract %get3A_52[0, 0] : f32 from vector<1x1xf32>
    %add3A_54 = vector.broadcast %get3A_53 : f32 to vector<1x4096xf32>
    %add3A_55 = arith.addf %dot_general3A_49, %add3A_54 : vector<1x4096xf32>
    %logistic3A = arith.negf %add3A_55 : vector<1x4096xf32>
    %logistic3A_56 = math.exp %logistic3A : vector<1x4096xf32>
    %logistic3A_57 = arith.constant 1.000000e+00 : f32
    %logistic3A_58 = vector.broadcast %logistic3A_57 : f32 to vector<1x4096xf32>
    %logistic3A_59 = arith.addf %logistic3A_58, %logistic3A_56 : vector<1x4096xf32>
    %logistic3A_60 = arith.divf %logistic3A_58, %logistic3A_59 : vector<1x4096xf32>
    %mul3A = arith.constant 4.500000e+00 : f32
    %mul3A_61 = vector.broadcast %mul3A : f32 to vector<1x4096xf32>
    %mul3A_62 = arith.mulf %mul3A_61, %logistic3A_60 : vector<1x4096xf32>
    %add3A_63 = arith.constant 5.000000e-01 : f32
    %add3A_64 = vector.broadcast %add3A_63 : f32 to vector<1x4096xf32>
    %add3A_65 = arith.addf %mul3A_62, %add3A_64 : vector<1x4096xf32>
    %reshape3A = vector.shape_cast %add3A_65 : vector<1x4096xf32> to vector<32x128xf32>
    %swap3A = arith.constant 0 : index
    %swap3A_66 = arith.constant 0 : index
    %swap3A_67 = vector.load %arg10[%swap3A, %swap3A_66] : memref<32x128xf32, #tpu.memory_space<vmem>>, vector<32x128xf32>
    tpu.vector_store %arg10[%swap3A, %swap3A_66], %reshape3A {strides = array<i32>} : memref<32x128xf32, #tpu.memory_space<vmem>>, vector<32x128xf32>,
    return
  }
  func.func @transform_0(%arg0: i32) -> (i32, i32) {
    %c0_i32 = arith.constant 0 : i32
    %c0_i32_0 = arith.constant 0 : i32
    return %arg0, %c0_i32 : i32, i32
  }
  func.func @transform_1(%arg0: i32) -> (i32, i32) {
    %c0_i32 = arith.constant 0 : i32
    %c0_i32_0 = arith.constant 0 : i32
    %c0_i32_1 = arith.constant 0 : i32
    return %c0_i32, %c0_i32_0 : i32, i32
  }
  func.func @transform_2(%arg0: i32) -> (i32, i32) {
    %c0_i32 = arith.constant 0 : i32
    %c0_i32_0 = arith.constant 0 : i32
    %c0_i32_1 = arith.constant 0 : i32
    return %c0_i32, %c0_i32_0 : i32, i32
  }
  func.func @transform_3(%arg0: i32) -> (i32, i32) {
    %c0_i32 = arith.constant 0 : i32
    %c0_i32_0 = arith.constant 0 : i32
    %c0_i32_1 = arith.constant 0 : i32
    return %c0_i32, %c0_i32_0 : i32, i32
  }
  func.func @transform_4(%arg0: i32) -> (i32, i32) {
    %c0_i32 = arith.constant 0 : i32
    %c0_i32_0 = arith.constant 0 : i32
    %c0_i32_1 = arith.constant 0 : i32
    return %c0_i32, %c0_i32_0 : i32, i32
  }
  func.func @transform_5(%arg0: i32) -> (i32, i32) {
    %c0_i32 = arith.constant 0 : i32
    %c0_i32_0 = arith.constant 0 : i32
    %c0_i32_1 = arith.constant 0 : i32
    return %c0_i32, %c0_i32_0 : i32, i32
  }
  func.func @transform_6(%arg0: i32) -> (i32, i32) {
    %c0_i32 = arith.constant 0 : i32
    %c0_i32_0 = arith.constant 0 : i32
    %c0_i32_1 = arith.constant 0 : i32
    return %c0_i32, %c0_i32_0 : i32, i32
  }
  func.func @transform_7(%arg0: i32) -> (i32, i32) {
    %c0_i32 = arith.constant 0 : i32
    %c0_i32_0 = arith.constant 0 : i32
    %c0_i32_1 = arith.constant 0 : i32
    return %c0_i32, %c0_i32_0 : i32, i32
  }
  func.func @transform_8(%arg0: i32) -> (i32, i32) {
    %c0_i32 = arith.constant 0 : i32
    %c0_i32_0 = arith.constant 0 : i32
    %c0_i32_1 = arith.constant 0 : i32
    return %c0_i32, %c0_i32_0 : i32, i32
  }
  func.func @transform_9(%arg0: i32) -> (i32, i32) {
    %c0_i32 = arith.constant 0 : i32
    %c0_i32_0 = arith.constant 0 : i32
    return %arg0, %c0_i32 : i32, i32
  }
}

</mosaic_0001>

<sc_bundles>
// kernel: kernel.6.cloned.1.call-start
scs
__scs_entry_jumppad:
0x0: {  	(pc) =	sbr.rel $0x88, $3  }
0x1: {  	(tag) =	ssettag $0x0;
	lr =	simm.s32 $0x1  }
0x2: {  	[smem:$0x3F95] =	sst lr;
	_ =	strace $0xD0000000  }
0x3: {  	_ = 	snop  }
0x4: {  	_ = 	snop  }
0x5: {  	_ = 	snop  }
0x6: {  	_ = 	snop  }
0x7: {  	_ = 	snop  }
__scs_overlays_trampoline_lowered:
0x8: {  	[smem:$0x3FA4] =	sst s0  }
0x9: {  	[smem:$0x3FA5] =	sst s1  }
0xa: {  	[smem:$0x3FA6] =	sst s2  }
0xb: {  	[smem:$0x3FA7] =	sst s3  }
0xc: {  	[smem:$0x3FA8] =	sst s4  }
0xd: {  	[smem:$0x3FA9] =	sst s5  }
0xe: {  	[smem:$0x3FAA] =	sst s6  }
0xf: {  	[smem:$0x3FAB] =	sst s7  }
0x10: {  	[smem:$0x3FAC] =	sst s8  }
0x11: {  	[smem:$0x3FAD] =	sst s9;
	s0 =	simm.s32 @!p0 $0x0  }
0x12: {  	s1 =	sld [smem:$0x3F93];
	s0 =	simm.s32 @p0 $0x1  }
0x13: {  	[smem:$0x3FAE] =	sst s0;
	s0 =	simm.s32 @!p1 $0x0  }
0x14: {  	s2 =	sld [smem:$0x3F92];
	s0 =	simm.s32 @p1 $0x1  }
0x15: {  	[smem:$0x3FAF] =	sst s0;
	s0 =	simm.s32 @!p2 $0x0  }
0x16: {  	s3 =	sld [smem:$0x3FDB];
	s0 =	simm.s32 @p2 $0x1  }
0x17: {  	s4 =	simm.s32 $0x1BF5;
	[smem:$0x3FB1] =	sst s0  }
0x18: {  	s0 =	sld [smem:$0x3F94];
	_ =	swait.ge [sflag:s4], $0x0  }
0x19: {  	s7 =	sld [smem:$0x3F95]  }
0x1a: {  	s8 =	sadd.s32 $0xFFFFE003, lr  }
0x1b: {  	s9 =	sadd.s32 $0xFFFFFEF7, lr;
	s5 =	simm.s32 $0xFFFFFFFF;
	p2 =	slt.u32 s8, $0xFFFFF086  }
0x1c: {  	p1 =	slt.u32 s9, $0xF7A;
	s5 =	simm.s32 @!p2 $0x0  }
0x1d: {  	s5 =	simm.s32 @p1 $0x1;
	p0 =	seq.s32 s7, s2  }
0x1e: {  	s7 =	smul.u32 @!p0 $0xF7A, s2;
	p2 =	seq.s32 @!p0 s5, $0x0  }
0x1f: {  	s9 =	smul.u32 $0xF7A, s1;
	s8 =	simm.s32 @!p0 $0x1BF5;
	p2 =	por !p2, p0  }
0x20: {  	[sflag:s8] =	ssyncset.s32 @!p0 $0xFFFFF086;
	s6 =	sadd.s32 @!p0 s3, s7;
	s7 =	simm.s32 @!p0 $0x108  }
0x21: {  	s3 =	sadd.s32 s3, s9;
	s6 =	sadd.s32 @!p0 $0x88, s6;
	s7 =	simm.s32 @p2 $0x1082  }
0x22: {  	[simem:s7], [sflag:s8] =	dma.local @!p0 [hbm:s6], $0xF7A  }
0x23: {  	s9 =	sor.u32 $0xD0000000, s2;
	s6 =	simm.s32 $0x108;
	_ =	swait.ge @!p0 [sflag:s8], $0x0  }
0x24: {  	s3 =	sadd.s32 $0x88, s3;
	s6 =	simm.s32 @!p1 $0x1082;
	[sflag:s4] =	ssyncset.s32 $0xFFFFF086  }
0x25: {  	[simem:s6], [sflag:s4] =	dma.local [hbm:s3], $0xF7A  }
0x26: {  	[smem:$0x3F95] =	sst s1;
	(tag) =	ssettag s2;
	_ =	strace s9  }
0x27: {  	s1 =	sld [smem:$0x3FA5]  }
0x28: {  	s2 =	sld [smem:$0x3FA6]  }
0x29: {  	s4 =	sld [smem:$0x3FA8]  }
0x2a: {  	p0 =	seq.s32 s5, $0x0;
	s5 =	sld [smem:$0x3FA9]  }
0x2b: {  	s6 =	sld [smem:$0x3FAA]  }
0x2c: {  	s7 =	sld [smem:$0x3FAB]  }
0x2d: {  	s3 =	simm.s32 $0x108;
	s8 =	sld [smem:$0x3FAC]  }
0x2e: {  	s3 =	simm.s32 @!p0 $0x1082;
	s9 =	sld [smem:$0x3FAD]  }
0x2f: {  	lr =	sadd.s32 s0, s3;
	s0 =	sld [smem:$0x3FA4]  }
0x30: {  	s3 =	sld [smem:$0x3FA7]  }
0x31: {  	[smem:$0x3FB0] =	sst s10  }
0x32: {  	s10 =	sld [smem:$0x3FAE];
	_ =	sdelay $0x3  }
0x33: {  	p0 =	seq.s32 s10, $0x1;
	s10 =	sld [smem:$0x3FB0];
	_ =	sdelay $0x3  }
0x34: {  	[smem:$0x3FB0] =	sst s10  }
0x35: {  	s10 =	sld [smem:$0x3FAF];
	_ =	sdelay $0x3  }
0x36: {  	p1 =	seq.s32 s10, $0x1;
	s10 =	sld [smem:$0x3FB0];
	_ =	sdelay $0x3  }
0x37: {  	[smem:$0x3FB0] =	sst s10  }
0x38: {  	s10 =	sld [smem:$0x3FB1]  }
0x39: {  	_ = 	snop;
	(pc) =	sbr.ind lr, $3  }
0x3a: {  	_ = 	snop  }
0x3b: {  	_ = 	snop  }
0x3c: {  	p2 =	seq.s32 s10, $0x1;
	s10 =	sld [smem:$0x3FB0]  }
0x3d: {  	_ =	shalt  }
0x3e: {  	_ =	shalt  }
0x3f: {  	_ =	shalt  }
0x40: {  	_ =	shalt  }
0x41: {  	_ =	shalt  }
0x42: {  	_ =	shalt  }
0x43: {  	_ =	shalt  }
0x44: {  	_ =	shalt  }
0x45: {  	_ =	shalt  }
0x46: {  	_ =	shalt  }
0x47: {  	_ =	shalt  }
0x48: {  	_ =	shalt  }
0x49: {  	_ =	shalt  }
0x4a: {  	_ =	shalt  }
0x4b: {  	_ =	shalt  }
0x4c: {  	_ =	shalt  }
0x4d: {  	_ =	shalt  }
0x4e: {  	_ =	shalt  }
0x4f: {  	_ =	shalt  }
0x50: {  	_ =	shalt  }
0x51: {  	_ =	shalt  }
0x52: {  	_ =	shalt  }
0x53: {  	_ =	shalt  }
0x54: {  	_ =	shalt  }
0x55: {  	_ =	shalt  }
0x56: {  	_ =	shalt  }
0x57: {  	_ =	shalt  }
0x58: {  	_ =	shalt  }
0x59: {  	_ =	shalt  }
0x5a: {  	_ =	shalt  }
0x5b: {  	_ =	shalt  }
0x5c: {  	_ =	shalt  }
0x5d: {  	_ =	shalt  }
0x5e: {  	_ =	shalt  }
0x5f: {  	_ =	shalt  }
0x60: {  	_ =	shalt  }
0x61: {  	_ =	shalt  }
0x62: {  	_ =	shalt  }
0x63: {  	_ =	shalt  }
0x64: {  	_ =	shalt  }
0x65: {  	_ =	shalt  }
0x66: {  	_ =	shalt  }
0x67: {  	_ =	shalt  }
0x68: {  	_ =	shalt  }
0x69: {  	_ =	shalt  }
0x6a: {  	_ =	shalt  }
0x6b: {  	_ =	shalt  }
0x6c: {  	_ =	shalt  }
0x6d: {  	_ =	shalt  }
0x6e: {  	_ =	shalt  }
0x6f: {  	_ =	shalt  }
0x70: {  	_ =	shalt  }
0x71: {  	_ =	shalt  }
0x72: {  	_ =	shalt  }
0x73: {  	_ =	shalt  }
0x74: {  	_ =	shalt  }
0x75: {  	_ =	shalt  }
0x76: {  	_ =	shalt  }
0x77: {  	_ =	shalt  }
0x78: {  	_ =	shalt  }
0x79: {  	_ =	shalt  }
0x7a: {  	_ =	shalt  }
0x7b: {  	_ =	shalt  }
0x7c: {  	_ =	shalt  }
0x7d: {  	_ =	shalt  }
0x7e: {  	_ =	shalt  }
0x7f: {  	_ =	shalt  }
0x80: {  	_ =	shalt  }
0x81: {  	_ =	shalt  }
0x82: {  	_ =	shalt  }
0x83: {  	_ =	shalt  }
0x84: {  	_ =	shalt  }
0x85: {  	_ =	shalt  }
0x86: {  	_ =	shalt  }
0x87: {  	_ =	shalt  }
.Lfunc_end0:
.L_simem_size_0:
called_computation_lowered:
.L_overlay_start_0:
0x88: {  	s2 =	sld [smem:$0x3FD9]  }
0x89: {  	s3 =	sld [smem:$0x3FFE];
	_ =	sdelay $0x1  }
0x8a: {  	s1 =	srdreg.scid  }
0x8b: {  	s0 =	sand.u32 $0x1, s1  }
0x8c: {  	s17 =	sshll.u32 s0, $0xA;
	s2 =	sadd.s32 s3, s2  }
0x8d: {  	s2 =	sadd.s32 s2, s17  }
0x8e: {  	[smem:$0x3FBC] =	sst s2  }
0x8f: {  	_ = 	snop  }
0x90: {  	s2 =	sld [smem:$0x3FC7]  }
0x91: {  	s18 =	sld [smem:$0x3FC6];
	(tm) =	ssettm $0x1  }
0x92: {  	s4 =	sld [smem:$0x3FFB];
	_ =	sdelay $0x3  }
0x93: {  	_ =	strace s4  }
0x94: {  	s4 =	sld [smem:$0x3FFC];
	_ =	sdelay $0x3  }
0x95: {  	_ =	strace s4  }
0x96: {  	s4 =	sld [smem:$0x3FFD];
	_ =	sdelay $0x3  }
0x97: {  	_ =	strace s4  }
0x98: {  	_ =	strace $0x8FFFFFFF  }
0x99: {  	s19 =	sld [smem:$0x3FDB];
	_ =	sdelay $0x1  }
0x9a: {  	s5 =	simm.s32 $_scs_section_size  }
0x9b: {  	s6 =	simm.s32 $_size__tile_overlayer_lowered;
	s7 =	simm.s32 $_tile_overlayer_lowered  }
0x9c: {  	s22 =	simm.s32 $0x1BFF;
	s21 =	sshll.u32 s7, $0x1;
	s4 =	sadd.s32 s5, s19  }
0x9d: {  	s8 =	simm.s32 $0x0;
	s20 =	sshll.u32 s6, $0x1;
	s6 =	sadd.s32 s21, s4  }
0x9e: {  	[timem:s8], [sflag:s22] =	dma.local [hbm:s6], s20  }
0x9f: {  	_ =	swait.ge [sflag:s22], s20  }
0xa0: {  	s5 =	ssub.s32 $0x0, s20;
	[sflag:s22] =	ssyncset.done $0x0  }
0xa1: {  	[sflag:s22] =	ssyncadd.s32 s5;
	_ =	sdelay $0x1  }
0xa2: {  	s23 =	simm.s32 $0x1B8B  }
0xa3: {  	_ =	swait.ge [sflag:s23], $0x1  }
0xa4: {  	[sflag:s23] =	ssyncset.done $0x0  }
0xa5: {  	s25 =	simm.s32 $0x1B8E;
	s24 =	sld [smem:$0x3FFE];
	[sflag:s23] =	ssyncadd.s32 $0xFFFFFFFF  }
0xa6: {  	s26 =	simm.s32 $execute0_lowered;
	[smem:$0x3FD2] =	sst s25  }
0xa7: {  	s6 =	sshll.u32 s26, $0x1;
	_ =	strace $0x80000046;
	[dreg:$0x1] =	wrdreg $0xFFFFFFFF  }
0xa8: {  	s28 =	simm.s32 $_size_execute0_lowered;
	s4 =	sadd.s32 s4, s6;
	[dreg:$0x0] =	wrdreg $0x0  }
0xa9: {  	s6 =	sshll.u32 s28, $0x1;
	[dreg:$0x2] =	wrdreg s4  }
0xaa: {  	[dreg:$0x3] =	wrdreg s6  }
0xab: {  	[dreg:$0x4] =	wrdreg $0xC0  }
0xac: {  	_ =	task [dreg:s8], $0x5FFFF  }
0xad: {  	[dreg:$0x1] =	wrdreg $0xFFFFFFFF  }
0xae: {  	[dreg:$0x0] =	wrdreg $0x60  }
0xaf: {  	[dreg:$0x2] =	wrdreg s24  }
0xb0: {  	[dreg:$0x3] =	wrdreg s2  }
0xb1: {  	[dreg:$0x4] =	wrdreg s18  }
0xb2: {  	[dreg:$0x5] =	wrdreg $0x9  }
0xb3: {  	_ =	task.clear_ibuf [dreg:s8], $0x6FFFF;
	_ =	strace $0x90000046  }
0xb4: {  	s29 =	simm.s32 $0x9;
	_ =	strace $0x80000048  }
0xb5: {  	_ =	swait.ge [sflag:s29], $0x1  }
0xb6: {  	[sflag:s29] =	ssyncadd.s32 $0xFFFFFFFF  }
0xb7: {  	_ =	strace $0x90000048  }
0xb8: {  	_ =	sfence  }
0xb9: {  	s30 =	sld [smem:$0x0];
	_ =	sdelay $0x2  }
0xba: {  	s31 =	sshll.u32 s1, $0xD;
	s1 =	sshrl.u32 s1, $0x2  }
0xbb: {  	s3 =	sand.u32 $0x4000, s31;
	s1 =	sadd.s32 s1, s30  }
0xbc: {  	s0 =	sor.u32 s3, s0;
	s1 =	sshll.u32 s1, $0x11  }
0xbd: {  	s0 =	sor.u32 s1, s0  }
0xbe: {  	s0 =	sadd.s32 $0x8F2B, s0  }
0xbf: {  	[sflag:s0] =	ssyncadd.remote.s32 $0x1  }
0xc0: {  	_ =	sfence.sel $0xFFFF  }
0xc1: {  	[dreg:$0x0] =	wrdreg $0xFFFFFFFF;
	(pc) =	sbr.abs _section_cstart, $3  }
0xc2: {  	[dreg:$0x1] =	wrdreg $0xFFFFFFFF  }
0xc3: {  	_ =	task.clear_ibuf [dreg:s8], $0x2FFFF;
	_ =	strace $0x9FFFFFFF  }
0xc4: {  	(tm) =	ssettm $0x7FFFFFFF  }
0xc5: {  	_ =	shalt  }
tec
execute0_lowered:
.L_overlay_start_1:
0x0: {  	(tag) =	ssettag $0x1  }
0x1: {  	s1 =	srdreg.scid  }
0x2: {  	s0 =	stileid.u32;
	s20 =	sand.u32 $0x1, s1  }
0x3: {  	s13 =	rddreg [dreg:$0x0];
	s30 =	sshll.u32 s0, $0x9;
	s4 =	sshll.u32 s20, $0x8  }
0x4: {  	s2 =	rddreg [dreg:$0x1];
	s11 =	sor.u32 s4, s30  }
0x5: {  	s3 =	rddreg [dreg:$0x2];
	s4 =	simm.s32 $0x0;
	s5 =	sshrl.u32 s11, $0x3  }
0x6: {  	s6 =	simm.s32 $0x3;
	[smem:$0x7FF] =	sst s4;
	s7 =	sadd.s32 s5, s13  }
0x7: {  	s1 =	rddreg [dreg:$0x3];
	_ =	strace $0x80000047;
	s5 =	sadd.s32 $0x1E00, s7  }
0x8: {  	[tilespmem:s4], [sflag:$0x3] =	stream.linear.gather [hbm4b:s5+s4], $0x100, $0x38;
	[tilespmem:$0x8200] =	vst v63  }
0x9: {  	_ =	swait.ge [sflag:s6], $0x100  }
0xa: {  	[sflag:s6] =	ssyncset.done $0x0  }
0xb: {  	s8 =	simm.s32 $0x100;
	s7 =	sadd.s32 $0x2200, s7;
	[sflag:s6] =	ssyncadd.s32 $0xFFFFFF00  }
0xc: {  	[tilespmem:s8], [sflag:$0x3] =	stream.linear.gather [hbm4b:s7+s4], $0x100, $0x38;
	[tilespmem:$0x8200] =	vst v63  }
0xd: {  	_ =	swait.ge [sflag:s6], $0x100  }
0xe: {  	[sflag:s6] =	ssyncset.done $0x0  }
0xf: {  	s9 =	simm.s32 $0x80;
	s10 =	simm.s32 $0x200;
	[sflag:s6] =	ssyncadd.s32 $0xFFFFFF00  }
0x10: {  	[tilespmem:s10], [sflag:$0x1] =	stream.indirect.gather [hbm4b:s2+s9], $0x80, s4, s9, $0xb8;
	[tilespmem:$0x8200] =	vst v63  }
0x11: {  	s12 =	simm.s32 $0x1;
	s14 =	sshll.u32 s11, $0x5;
	s11 =	simm.s32 $0x4200  }
0x12: {  	[tilespmem:s11], [sflag:$0x1] =	stream.indirect.gather [hbm4b:s2+s9], $0x80, s9, s9, $0xb8;
	[tilespmem:$0x8200] =	vst v63  }
0x13: {  	s16 =	simm.s32 $0x800;
	_ =	swait.ge [sflag:s12], $0x4000  }
0x14: {  	s15 =	simm.s32 $0x2;
	s21 =	sadd.s32 s14, s13;
	[sflag:s12] =	ssyncset.done $0x0  }
0x15: {  	s14 =	simm.s32 $0x400;
	s13 =	sadd.s32 $0x2600, s21;
	[sflag:s12] =	ssyncadd.s32 $0xFFFFC000  }
0x16: {  	[hbm4b:s13+s14] =	stream.strided.scatter [tilespmem:s10], [sflag:$0x2], $0x4000, s16, s14, $0x38;
	[tilespmem:$0x8200] =	vst v63  }
0x17: {  	_ =	swait.ge [sflag:s15], $0x4000  }
0x18: {  	[sflag:s15] =	ssyncset.done $0x0  }
0x19: {  	[sflag:s15] =	ssyncadd.s32 $0xFFFFC000  }
0x1a: {  	[tilespmem:s10], [sflag:$0x1] =	stream.indirect.gather [hbm4b:s3+s9], $0x80, s8, s9, $0xb8;
	[tilespmem:$0x8200] =	vst v63  }
0x1b: {  	_ =	swait.ge [sflag:s12], $0x4000  }
0x1c: {  	[sflag:s12] =	ssyncset.done $0x0  }
0x1d: {  	s17 =	sadd.s32 $0x3600, s21;
	[sflag:s12] =	ssyncadd.s32 $0xFFFFC000  }
0x1e: {  	[hbm4b:s17+s14] =	stream.strided.scatter [tilespmem:s11], [sflag:$0x2], $0x4000, s16, s14, $0x38;
	[tilespmem:$0x8200] =	vst v63  }
0x1f: {  	_ =	swait.ge [sflag:s15], $0x4000  }
0x20: {  	[sflag:s15] =	ssyncset.done $0x0  }
0x21: {  	s18 =	simm.s32 $0x180;
	[sflag:s15] =	ssyncadd.s32 $0xFFFFC000  }
0x22: {  	[tilespmem:s11], [sflag:$0x1] =	stream.indirect.gather [hbm4b:s3+s9], $0x80, s18, s9, $0xb8;
	[tilespmem:$0x8200] =	vst v63  }
0x23: {  	_ =	swait.ge [sflag:s12], $0x4000  }
0x24: {  	s22 =	ssub.s32 $0x2, s20;
	[sflag:s12] =	ssyncset.done $0x0  }
0x25: {  	s31 =	sshrl.u32 s22, $0x1;
	s19 =	sadd.s32 $0x2680, s21;
	[sflag:s12] =	ssyncadd.s32 $0xFFFFC000  }
0x26: {  	[hbm4b:s19+s14] =	stream.strided.scatter [tilespmem:s10], [sflag:$0x2], $0x4000, s16, s14, $0x38;
	[tilespmem:$0x8200] =	vst v63  }
0x27: {  	s20 =	sadd.s32 $0x3680, s21;
	s21 =	ssub.s32 s22, s31;
	_ =	swait.ge [sflag:s12], $0x4000  }
0x28: {  	s21 =	smax.u32 s21, $0x1;
	[sflag:s12] =	ssyncset.done $0x0  }
0x29: {  	p0 =	sne.s32 s21, $0x1;
	[sflag:s12] =	ssyncadd.s32 $0xFFFFC000  }
0x2a: {  	[hbm4b:s20+s14] =	stream.strided.scatter [tilespmem:s11], [sflag:$0x2], $0x4000, s16, s14, $0x38;
	[tilespmem:$0x8200] =	vst v63  }
.Ltmp0:
0x2b: {  	_ =	swait.ge [sflag:s15], $0x4000;
	(pc) =	sbr.rel @!p0 .LBB2_2-.Ltmp0, $4  }
0x2c: {  	[sflag:s15] =	ssyncset.done $0x0  }
0x2d: {  	[sflag:s15] =	ssyncadd.s32 $0xFFFFC000  }
0x2e: {  	_ =	swait.ge [sflag:s15], $0x4000  }
0x2f: {  	s21 =	sadd.s32 $0xFFFFFFFF, s21;
	[sflag:s15] =	ssyncset.done $0x0  }
.LBB2_1:
0x30: {  	p0 =	sne.s32 s21, $0x1;
	s21 =	sadd.s32 $0xFFFFFFFF, s21;
	[sflag:s15] =	ssyncadd.s32 $0xFFFFC000  }
0x31: {  	[tilespmem:s4], [sflag:$0x3] =	stream.linear.gather [hbm4b:s5+s4], $0x100, $0x38;
	[tilespmem:$0x8200] =	vst v63  }
0x32: {  	_ =	swait.ge [sflag:s6], $0x100  }
0x33: {  	[sflag:s6] =	ssyncset.done $0x0  }
0x34: {  	[sflag:s6] =	ssyncadd.s32 $0xFFFFFF00  }
0x35: {  	[tilespmem:s8], [sflag:$0x3] =	stream.linear.gather [hbm4b:s7+s4], $0x100, $0x38;
	[tilespmem:$0x8200] =	vst v63  }
0x36: {  	_ =	swait.ge [sflag:s6], $0x100  }
0x37: {  	[sflag:s6] =	ssyncset.done $0x0  }
0x38: {  	[sflag:s6] =	ssyncadd.s32 $0xFFFFFF00  }
0x39: {  	[tilespmem:s10], [sflag:$0x1] =	stream.indirect.gather [hbm4b:s2+s9], $0x80, s4, s9, $0xb8;
	[tilespmem:$0x8200] =	vst v63  }
0x3a: {  	_ = 	snop  }
0x3b: {  	[tilespmem:s11], [sflag:$0x1] =	stream.indirect.gather [hbm4b:s2+s9], $0x80, s9, s9, $0xb8;
	[tilespmem:$0x8200] =	vst v63  }
0x3c: {  	_ =	swait.ge [sflag:s12], $0x4000  }
0x3d: {  	[sflag:s12] =	ssyncset.done $0x0  }
0x3e: {  	[sflag:s12] =	ssyncadd.s32 $0xFFFFC000  }
0x3f: {  	[hbm4b:s13+s14] =	stream.strided.scatter [tilespmem:s10], [sflag:$0x2], $0x4000, s16, s14, $0x38;
	[tilespmem:$0x8200] =	vst v63  }
0x40: {  	_ =	swait.ge [sflag:s15], $0x4000  }
0x41: {  	[sflag:s15] =	ssyncset.done $0x0  }
0x42: {  	[sflag:s15] =	ssyncadd.s32 $0xFFFFC000  }
0x43: {  	[tilespmem:s10], [sflag:$0x1] =	stream.indirect.gather [hbm4b:s3+s9], $0x80, s8, s9, $0xb8;
	[tilespmem:$0x8200] =	vst v63  }
0x44: {  	_ =	swait.ge [sflag:s12], $0x4000  }
0x45: {  	[sflag:s12] =	ssyncset.done $0x0  }
0x46: {  	[sflag:s12] =	ssyncadd.s32 $0xFFFFC000  }
0x47: {  	[hbm4b:s17+s14] =	stream.strided.scatter [tilespmem:s11], [sflag:$0x2], $0x4000, s16, s14, $0x38;
	[tilespmem:$0x8200] =	vst v63  }
0x48: {  	_ =	swait.ge [sflag:s15], $0x4000  }
0x49: {  	[sflag:s15] =	ssyncset.done $0x0  }
0x4a: {  	[sflag:s15] =	ssyncadd.s32 $0xFFFFC000  }
0x4b: {  	[tilespmem:s11], [sflag:$0x1] =	stream.indirect.gather [hbm4b:s3+s9], $0x80, s18, s9, $0xb8;
	[tilespmem:$0x8200] =	vst v63  }
0x4c: {  	_ =	swait.ge [sflag:s12], $0x4000  }
0x4d: {  	[sflag:s12] =	ssyncset.done $0x0  }
0x4e: {  	[sflag:s12] =	ssyncadd.s32 $0xFFFFC000  }
0x4f: {  	[hbm4b:s19+s14] =	stream.strided.scatter [tilespmem:s10], [sflag:$0x2], $0x4000, s16, s14, $0x38;
	[tilespmem:$0x8200] =	vst v63  }
0x50: {  	_ =	swait.ge [sflag:s12], $0x4000  }
0x51: {  	[sflag:s12] =	ssyncset.done $0x0  }
0x52: {  	[sflag:s12] =	ssyncadd.s32 $0xFFFFC000  }
0x53: {  	[hbm4b:s20+s14] =	stream.strided.scatter [tilespmem:s11], [sflag:$0x2], $0x4000, s16, s14, $0x38;
	[tilespmem:$0x8200] =	vst v63  }
.Ltmp1:
0x54: {  	_ =	swait.ge [sflag:s15], $0x4000;
	(pc) =	sbr.rel @p0 .LBB2_1-.Ltmp1, $4  }
0x55: {  	[sflag:s15] =	ssyncset.done $0x0  }
0x56: {  	[sflag:s15] =	ssyncadd.s32 $0xFFFFC000  }
0x57: {  	_ =	swait.ge [sflag:s15], $0x4000  }
0x58: {  	[sflag:s15] =	ssyncset.done $0x0  }
.LBB2_2:
0x59: {  	[sflag:s15] =	ssyncadd.s32 $0xFFFFC000  }
0x5a: {  	_ =	sfence.sel $0x180000  }
0x5b: {  	[bflag:$0x0] =	sbarrier.arrive $0xFFFF  }
0x5c: {  	p0 =	sne.s32 s0, $0x0;
	_ =	strace $0x90000047  }
0x5d: {  	s0 =	sadd.s32 @!p0 $0x100000, s1;
	[bflag:$0x2] =	sbarrier.arrive $0xFFFF  }
0x5e: {  	[sflag:s0] =	ssyncadd.tile.s32 @!p0 $0x1;
	_ =	shalt  }
.Lfunc_end2:
_tile_overlayer_lowered:
.L_overlay_start_2:
0x5f: {  	(tag) =	ssettag $0x2  }
0x60: {  	s0 =	rddreg [dreg:$0x0];
	s2 =	stileid.u32  }
0x61: {  	s1 =	rddreg [dreg:$0x1];
	p0 =	sne.s32 s2, $0x0  }
0x62: {  	s3 =	rddreg [dreg:$0x2];
	[bflag:$0x3] =	sbarrier.arrive $0xFFFF;
	s2 =	simm.s32 @!p0 $0x1C03  }
0x63: {  	[timem:s3], [sflag:s2] =	dma.local @!p0 [hbm:s0], s1  }
0x64: {  	s0 =	simm.s32 @!p0 $0x3  }
0x65: {  	_ =	swait.ge @!p0 [sflag:s0], s1  }
0x66: {  	s1 =	ssub.s32 @!p0 $0x0, s1;
	[sflag:s0] =	ssyncset.done @!p0 $0x0  }
0x67: {  	[sflag:s0] =	ssyncadd.s32 @!p0 s1  }
0x68: {  	[bflag:$0x3] =	sbarrier.arrive $0xFFFF  }
0x69: {  	_ =	shalt  }

// kernel: kernel.9.cloned.1.call-start
scs
__scs_entry_jumppad:
0x0: {  	(pc) =	sbr.rel $0x88, $3  }
0x1: {  	(tag) =	ssettag $0x0;
	lr =	simm.s32 $0x1  }
0x2: {  	[smem:$0x3F95] =	sst lr;
	_ =	strace $0xD0000000  }
0x3: {  	_ = 	snop  }
0x4: {  	_ = 	snop  }
0x5: {  	_ = 	snop  }
0x6: {  	_ = 	snop  }
0x7: {  	_ = 	snop  }
__scs_overlays_trampoline_lowered:
0x8: {  	[smem:$0x3FA4] =	sst s0  }
0x9: {  	[smem:$0x3FA5] =	sst s1  }
0xa: {  	[smem:$0x3FA6] =	sst s2  }
0xb: {  	[smem:$0x3FA7] =	sst s3  }
0xc: {  	[smem:$0x3FA8] =	sst s4  }
0xd: {  	[smem:$0x3FA9] =	sst s5  }
0xe: {  	[smem:$0x3FAA] =	sst s6  }
0xf: {  	[smem:$0x3FAB] =	sst s7  }
0x10: {  	[smem:$0x3FAC] =	sst s8  }
0x11: {  	[smem:$0x3FAD] =	sst s9;
	s0 =	simm.s32 @!p0 $0x0  }
0x12: {  	s1 =	sld [smem:$0x3F93];
	s0 =	simm.s32 @p0 $0x1  }
0x13: {  	[smem:$0x3FAE] =	sst s0;
	s0 =	simm.s32 @!p1 $0x0  }
0x14: {  	s2 =	sld [smem:$0x3F92];
	s0 =	simm.s32 @p1 $0x1  }
0x15: {  	[smem:$0x3FAF] =	sst s0;
	s0 =	simm.s32 @!p2 $0x0  }
0x16: {  	s3 =	sld [smem:$0x3FDB];
	s0 =	simm.s32 @p2 $0x1  }
0x17: {  	s4 =	simm.s32 $0x1BF5;
	[smem:$0x3FB1] =	sst s0  }
0x18: {  	s0 =	sld [smem:$0x3F94];
	_ =	swait.ge [sflag:s4], $0x0  }
0x19: {  	s7 =	sld [smem:$0x3F95]  }
0x1a: {  	s8 =	sadd.s32 $0xFFFFE003, lr  }
0x1b: {  	s9 =	sadd.s32 $0xFFFFFEF7, lr;
	s5 =	simm.s32 $0xFFFFFFFF;
	p2 =	slt.u32 s8, $0xFFFFF086  }
0x1c: {  	p1 =	slt.u32 s9, $0xF7A;
	s5 =	simm.s32 @!p2 $0x0  }
0x1d: {  	s5 =	simm.s32 @p1 $0x1;
	p0 =	seq.s32 s7, s2  }
0x1e: {  	s7 =	smul.u32 @!p0 $0xF7A, s2;
	p2 =	seq.s32 @!p0 s5, $0x0  }
0x1f: {  	s9 =	smul.u32 $0xF7A, s1;
	s8 =	simm.s32 @!p0 $0x1BF5;
	p2 =	por !p2, p0  }
0x20: {  	[sflag:s8] =	ssyncset.s32 @!p0 $0xFFFFF086;
	s6 =	sadd.s32 @!p0 s3, s7;
	s7 =	simm.s32 @!p0 $0x108  }
0x21: {  	s3 =	sadd.s32 s3, s9;
	s6 =	sadd.s32 @!p0 $0x88, s6;
	s7 =	simm.s32 @p2 $0x1082  }
0x22: {  	[simem:s7], [sflag:s8] =	dma.local @!p0 [hbm:s6], $0xF7A  }
0x23: {  	s9 =	sor.u32 $0xD0000000, s2;
	s6 =	simm.s32 $0x108;
	_ =	swait.ge @!p0 [sflag:s8], $0x0  }
0x24: {  	s3 =	sadd.s32 $0x88, s3;
	s6 =	simm.s32 @!p1 $0x1082;
	[sflag:s4] =	ssyncset.s32 $0xFFFFF086  }
0x25: {  	[simem:s6], [sflag:s4] =	dma.local [hbm:s3], $0xF7A  }
0x26: {  	[smem:$0x3F95] =	sst s1;
	(tag) =	ssettag s2;
	_ =	strace s9  }
0x27: {  	s1 =	sld [smem:$0x3FA5]  }
0x28: {  	s2 =	sld [smem:$0x3FA6]  }
0x29: {  	s4 =	sld [smem:$0x3FA8]  }
0x2a: {  	p0 =	seq.s32 s5, $0x0;
	s5 =	sld [smem:$0x3FA9]  }
0x2b: {  	s6 =	sld [smem:$0x3FAA]  }
0x2c: {  	s7 =	sld [smem:$0x3FAB]  }
0x2d: {  	s3 =	simm.s32 $0x108;
	s8 =	sld [smem:$0x3FAC]  }
0x2e: {  	s3 =	simm.s32 @!p0 $0x1082;
	s9 =	sld [smem:$0x3FAD]  }
0x2f: {  	lr =	sadd.s32 s0, s3;
	s0 =	sld [smem:$0x3FA4]  }
0x30: {  	s3 =	sld [smem:$0x3FA7]  }
0x31: {  	[smem:$0x3FB0] =	sst s10  }
0x32: {  	s10 =	sld [smem:$0x3FAE];
	_ =	sdelay $0x3  }
0x33: {  	p0 =	seq.s32 s10, $0x1;
	s10 =	sld [smem:$0x3FB0];
	_ =	sdelay $0x3  }
0x34: {  	[smem:$0x3FB0] =	sst s10  }
0x35: {  	s10 =	sld [smem:$0x3FAF];
	_ =	sdelay $0x3  }
0x36: {  	p1 =	seq.s32 s10, $0x1;
	s10 =	sld [smem:$0x3FB0];
	_ =	sdelay $0x3  }
0x37: {  	[smem:$0x3FB0] =	sst s10  }
0x38: {  	s10 =	sld [smem:$0x3FB1]  }
0x39: {  	_ = 	snop;
	(pc) =	sbr.ind lr, $3  }
0x3a: {  	_ = 	snop  }
0x3b: {  	_ = 	snop  }
0x3c: {  	p2 =	seq.s32 s10, $0x1;
	s10 =	sld [smem:$0x3FB0]  }
0x3d: {  	_ =	shalt  }
0x3e: {  	_ =	shalt  }
0x3f: {  	_ =	shalt  }
0x40: {  	_ =	shalt  }
0x41: {  	_ =	shalt  }
0x42: {  	_ =	shalt  }
0x43: {  	_ =	shalt  }
0x44: {  	_ =	shalt  }
0x45: {  	_ =	shalt  }
0x46: {  	_ =	shalt  }
0x47: {  	_ =	shalt  }
0x48: {  	_ =	shalt  }
0x49: {  	_ =	shalt  }
0x4a: {  	_ =	shalt  }
0x4b: {  	_ =	shalt  }
0x4c: {  	_ =	shalt  }
0x4d: {  	_ =	shalt  }
0x4e: {  	_ =	shalt  }
0x4f: {  	_ =	shalt  }
0x50: {  	_ =	shalt  }
0x51: {  	_ =	shalt  }
0x52: {  	_ =	shalt  }
0x53: {  	_ =	shalt  }
0x54: {  	_ =	shalt  }
0x55: {  	_ =	shalt  }
0x56: {  	_ =	shalt  }
0x57: {  	_ =	shalt  }
0x58: {  	_ =	shalt  }
0x59: {  	_ =	shalt  }
0x5a: {  	_ =	shalt  }
0x5b: {  	_ =	shalt  }
0x5c: {  	_ =	shalt  }
0x5d: {  	_ =	shalt  }
0x5e: {  	_ =	shalt  }
0x5f: {  	_ =	shalt  }
0x60: {  	_ =	shalt  }
0x61: {  	_ =	shalt  }
0x62: {  	_ =	shalt  }
0x63: {  	_ =	shalt  }
0x64: {  	_ =	shalt  }
0x65: {  	_ =	shalt  }
0x66: {  	_ =	shalt  }
0x67: {  	_ =	shalt  }
0x68: {  	_ =	shalt  }
0x69: {  	_ =	shalt  }
0x6a: {  	_ =	shalt  }
0x6b: {  	_ =	shalt  }
0x6c: {  	_ =	shalt  }
0x6d: {  	_ =	shalt  }
0x6e: {  	_ =	shalt  }
0x6f: {  	_ =	shalt  }
0x70: {  	_ =	shalt  }
0x71: {  	_ =	shalt  }
0x72: {  	_ =	shalt  }
0x73: {  	_ =	shalt  }
0x74: {  	_ =	shalt  }
0x75: {  	_ =	shalt  }
0x76: {  	_ =	shalt  }
0x77: {  	_ =	shalt  }
0x78: {  	_ =	shalt  }
0x79: {  	_ =	shalt  }
0x7a: {  	_ =	shalt  }
0x7b: {  	_ =	shalt  }
0x7c: {  	_ =	shalt  }
0x7d: {  	_ =	shalt  }
0x7e: {  	_ =	shalt  }
0x7f: {  	_ =	shalt  }
0x80: {  	_ =	shalt  }
0x81: {  	_ =	shalt  }
0x82: {  	_ =	shalt  }
0x83: {  	_ =	shalt  }
0x84: {  	_ =	shalt  }
0x85: {  	_ =	shalt  }
0x86: {  	_ =	shalt  }
0x87: {  	_ =	shalt  }
.Lfunc_end0:
.L_simem_size_0:
called_computation.1_lowered:
.L_overlay_start_0:
0x88: {  	s2 =	sld [smem:$0x3FD9]  }
0x89: {  	s3 =	sld [smem:$0x3FFE];
	_ =	sdelay $0x1  }
0x8a: {  	s1 =	srdreg.scid  }
0x8b: {  	s0 =	sand.u32 $0x1, s1  }
0x8c: {  	s17 =	sshll.u32 s0, $0xA;
	s2 =	sadd.s32 s3, s2  }
0x8d: {  	s2 =	sadd.s32 s2, s17  }
0x8e: {  	[smem:$0x3FBC] =	sst s2  }
0x8f: {  	_ = 	snop  }
0x90: {  	s18 =	sld [smem:$0x3FC7]  }
0x91: {  	s4 =	sld [smem:$0x3FC6]  }
0x92: {  	s5 =	sld [smem:$0x3FD0];
	(tm) =	ssettm $0x1  }
0x93: {  	s19 =	sld [smem:$0x3FFB];
	_ =	sdelay $0x3  }
0x94: {  	_ =	strace s19  }
0x95: {  	s2 =	sld [smem:$0x3FFC];
	_ =	sdelay $0x3  }
0x96: {  	_ =	strace s2  }
0x97: {  	s2 =	sld [smem:$0x3FFD];
	_ =	sdelay $0x3  }
0x98: {  	_ =	strace s2  }
0x99: {  	_ =	strace $0x8FFFFFFF  }
0x9a: {  	s20 =	sld [smem:$0x3FDB];
	_ =	sdelay $0x1  }
0x9b: {  	s6 =	simm.s32 $_scs_section_size  }
0x9c: {  	s7 =	simm.s32 $_size__tile_overlayer_lowered;
	s8 =	simm.s32 $_tile_overlayer_lowered  }
0x9d: {  	s9 =	simm.s32 $0x1BFF;
	s21 =	sshll.u32 s8, $0x1;
	s6 =	sadd.s32 s6, s20  }
0x9e: {  	s22 =	simm.s32 $0x0;
	s7 =	sshll.u32 s7, $0x1;
	s8 =	sadd.s32 s21, s6  }
0x9f: {  	[timem:s22], [sflag:s9] =	dma.local [hbm:s8], s7  }
0xa0: {  	_ =	swait.ge [sflag:s9], s7  }
0xa1: {  	s7 =	ssub.s32 $0x0, s7;
	[sflag:s9] =	ssyncset.done $0x0  }
0xa2: {  	[sflag:s9] =	ssyncadd.s32 s7;
	_ =	sdelay $0x1  }
0xa3: {  	s23 =	simm.s32 $0x1B8B  }
0xa4: {  	_ =	swait.ge [sflag:s23], $0x1  }
0xa5: {  	[sflag:s23] =	ssyncset.done $0x0  }
0xa6: {  	[sflag:s23] =	ssyncadd.s32 $0xFFFFFFFF  }
0xa7: {  	s7 =	sld [smem:$0x0]  }
0xa8: {  	s8 =	sand.u32 $0xFFFFFFFE, s1  }
0xa9: {  	p0 =	sne.s32 s1, s8  }
0xaa: {  	s8 =	sshll.u32 @p0 s8, $0xE  }
0xab: {  	s8 =	sadd.s32 @p0 $0x11B8D, s8;
	s9 =	sshll.u32 @p0 s7, $0x11  }
0xac: {  	s8 =	sor.u32 @p0 s9, s8  }
0xad: {  	[sflag:s8] =	ssyncadd.remote.s32 @p0 $0x1;
	_ =	sdelay $0x1  }
0xae: {  	s8 =	simm.s32 @p0 $0x1B8D  }
0xaf: {  	_ =	swait.eq @p0 [sflag:s8], $0x1  }
0xb0: {  	[sflag:s8] =	ssyncadd.s32 @p0 $0xFFFFFFFF  }
0xb1: {  	s9 =	sshll.u32 @!p0 s1, $0xE  }
0xb2: {  	s9 =	sor.u32 @!p0 $0x4000, s9;
	s8 =	simm.s32 @!p0 $0x1B8D  }
0xb3: {  	s7 =	sshll.u32 @!p0 s7, $0x11;
	s9 =	sadd.s32 @!p0 $0x11B8D, s9;
	_ =	swait.eq @!p0 [sflag:s8], $0x1  }
0xb4: {  	s7 =	sor.u32 @!p0 s7, s9;
	[sflag:s8] =	ssyncadd.s32 @!p0 $0xFFFFFFFF  }
0xb5: {  	s25 =	simm.s32 $0x1B8E;
	s24 =	sld [smem:$0x3FFE];
	[sflag:s7] =	ssyncadd.remote.s32 @!p0 $0x1  }
0xb6: {  	s26 =	simm.s32 $execute0_lowered;
	[smem:$0x3FD2] =	sst s25  }
0xb7: {  	s8 =	sshll.u32 s26, $0x1;
	_ =	strace $0x80000049;
	[dreg:$0x1] =	wrdreg $0xFFFFFFFF  }
0xb8: {  	s28 =	simm.s32 $_size_execute0_lowered;
	s6 =	sadd.s32 s6, s8;
	[dreg:$0x0] =	wrdreg $0x0  }
0xb9: {  	s8 =	sshll.u32 s28, $0x1;
	[dreg:$0x2] =	wrdreg s6  }
0xba: {  	[dreg:$0x3] =	wrdreg s8  }
0xbb: {  	[dreg:$0x4] =	wrdreg $0xC0  }
0xbc: {  	_ =	task [dreg:s22], $0x5FFFF  }
0xbd: {  	[dreg:$0x1] =	wrdreg $0xFFFFFFFF  }
0xbe: {  	[dreg:$0x0] =	wrdreg $0x60  }
0xbf: {  	[dreg:$0x2] =	wrdreg s5  }
0xc0: {  	[dreg:$0x3] =	wrdreg s24  }
0xc1: {  	[dreg:$0x4] =	wrdreg s18  }
0xc2: {  	[dreg:$0x5] =	wrdreg s4  }
0xc3: {  	[dreg:$0x6] =	wrdreg $0xA  }
0xc4: {  	_ =	task.clear_ibuf [dreg:s22], $0x7FFFF;
	_ =	strace $0x90000049  }
0xc5: {  	s29 =	simm.s32 $0xA;
	_ =	strace $0x8000004B  }
0xc6: {  	_ =	swait.ge [sflag:s29], $0x1  }
0xc7: {  	[sflag:s29] =	ssyncadd.s32 $0xFFFFFFFF  }
0xc8: {  	_ =	strace $0x9000004B  }
0xc9: {  	_ =	sfence  }
0xca: {  	s30 =	sld [smem:$0x0];
	_ =	sdelay $0x2  }
0xcb: {  	s31 =	sshll.u32 s1, $0xD;
	s1 =	sshrl.u32 s1, $0x2  }
0xcc: {  	s4 =	sand.u32 $0x4000, s31;
	s1 =	sadd.s32 s1, s30  }
0xcd: {  	s0 =	sor.u32 s4, s0;
	s1 =	sshll.u32 s1, $0x11  }
0xce: {  	s0 =	sor.u32 s1, s0  }
0xcf: {  	s0 =	sadd.s32 $0x8F2B, s0  }
0xd0: {  	[sflag:s0] =	ssyncadd.remote.s32 $0x1  }
0xd1: {  	_ =	sfence.sel $0xFFFF  }
0xd2: {  	[dreg:$0x0] =	wrdreg $0xFFFFFFFF;
	(pc) =	sbr.abs _section_cstart, $3  }
0xd3: {  	[dreg:$0x1] =	wrdreg $0xFFFFFFFF  }
0xd4: {  	_ =	task.clear_ibuf [dreg:s22], $0x2FFFF;
	_ =	strace $0x9FFFFFFF  }
0xd5: {  	(tm) =	ssettm $0x7FFFFFFF  }
tec
execute0_lowered:
.L_overlay_start_1:
0x0: {  	(tag) =	ssettag $0x1  }
0x1: {  	s5 =	rddreg [dreg:$0x0]  }
0x2: {  	s13 =	rddreg [dreg:$0x1];
	s1 =	srdreg.scid  }
0x3: {  	s2 =	rddreg [dreg:$0x2];
	s0 =	stileid.u32;
	s20 =	sand.u32 $0x1, s1  }
0x4: {  	s3 =	rddreg [dreg:$0x3];
	s6 =	sshll.u32 s0, $0x9;
	s7 =	sshll.u32 s20, $0x8  }
0x5: {  	s4 =	simm.s32 $0x0;
	s1 =	rddreg [dreg:$0x4];
	s11 =	sor.u32 s7, s6  }
0x6: {  	[smem:$0x7FF] =	sst s4;
	s7 =	sshrl.u32 s11, $0x3  }
0x7: {  	_ =	strace $0x8000004A;
	s6 =	simm.s32 $0x3;
	s5 =	sadd.s32 s5, s7  }
0x8: {  	[tilespmem:s4], [sflag:$0x3] =	stream.linear.gather [hbm4b:s5+s4], $0x100, $0x38;
	[tilespmem:$0x8200] =	vst v63  }
0x9: {  	_ =	swait.ge [sflag:s6], $0x100  }
0xa: {  	s7 =	sadd.s32 s7, s13;
	[sflag:s6] =	ssyncset.done $0x0  }
0xb: {  	s8 =	simm.s32 $0x100;
	s7 =	sadd.s32 $0x42600, s7;
	[sflag:s6] =	ssyncadd.s32 $0xFFFFFF00  }
0xc: {  	[tilespmem:s8], [sflag:$0x3] =	stream.linear.gather [hbm4b:s7+s4], $0x100, $0x38;
	[tilespmem:$0x8200] =	vst v63  }
0xd: {  	_ =	swait.ge [sflag:s6], $0x100  }
0xe: {  	[sflag:s6] =	ssyncset.done $0x0  }
0xf: {  	s9 =	simm.s32 $0x80;
	s10 =	simm.s32 $0x200;
	[sflag:s6] =	ssyncadd.s32 $0xFFFFFF00  }
0x10: {  	[tilespmem:s10], [sflag:$0x1] =	stream.indirect.gather [hbm4b:s2+s9], $0x80, s4, s9, $0xb8;
	[tilespmem:$0x8200] =	vst v63  }
0x11: {  	s12 =	simm.s32 $0x1;
	s14 =	sshll.u32 s11, $0x5;
	s11 =	simm.s32 $0x4200  }
0x12: {  	[tilespmem:s11], [sflag:$0x1] =	stream.indirect.gather [hbm4b:s2+s9], $0x80, s9, s9, $0xb8;
	[tilespmem:$0x8200] =	vst v63  }
0x13: {  	s16 =	simm.s32 $0x800;
	_ =	swait.ge [sflag:s12], $0x4000  }
0x14: {  	s15 =	simm.s32 $0x2;
	s21 =	sadd.s32 s14, s13;
	[sflag:s12] =	ssyncset.done $0x0  }
0x15: {  	s14 =	simm.s32 $0x400;
	s13 =	sadd.s32 $0x42A00, s21;
	[sflag:s12] =	ssyncadd.s32 $0xFFFFC000  }
0x16: {  	[hbm4b:s13+s14] =	stream.strided.scatter [tilespmem:s10], [sflag:$0x2], $0x4000, s16, s14, $0x38;
	[tilespmem:$0x8200] =	vst v63  }
0x17: {  	_ =	swait.ge [sflag:s15], $0x4000  }
0x18: {  	[sflag:s15] =	ssyncset.done $0x0  }
0x19: {  	[sflag:s15] =	ssyncadd.s32 $0xFFFFC000  }
0x1a: {  	[tilespmem:s10], [sflag:$0x1] =	stream.indirect.gather [hbm4b:s3+s9], $0x80, s8, s9, $0xb8;
	[tilespmem:$0x8200] =	vst v63  }
0x1b: {  	_ =	swait.ge [sflag:s12], $0x4000  }
0x1c: {  	[sflag:s12] =	ssyncset.done $0x0  }
0x1d: {  	s17 =	sadd.s32 $0x43A00, s21;
	[sflag:s12] =	ssyncadd.s32 $0xFFFFC000  }
0x1e: {  	[hbm4b:s17+s14] =	stream.strided.scatter [tilespmem:s11], [sflag:$0x2], $0x4000, s16, s14, $0x38;
	[tilespmem:$0x8200] =	vst v63  }
0x1f: {  	_ =	swait.ge [sflag:s15], $0x4000  }
0x20: {  	[sflag:s15] =	ssyncset.done $0x0  }
0x21: {  	s18 =	simm.s32 $0x180;
	[sflag:s15] =	ssyncadd.s32 $0xFFFFC000  }
0x22: {  	[tilespmem:s11], [sflag:$0x1] =	stream.indirect.gather [hbm4b:s3+s9], $0x80, s18, s9, $0xb8;
	[tilespmem:$0x8200] =	vst v63  }
0x23: {  	_ =	swait.ge [sflag:s12], $0x4000  }
0x24: {  	s22 =	ssub.s32 $0x2, s20;
	[sflag:s12] =	ssyncset.done $0x0  }
0x25: {  	s31 =	sshrl.u32 s22, $0x1;
	s19 =	sadd.s32 $0x42A80, s21;
	[sflag:s12] =	ssyncadd.s32 $0xFFFFC000  }
0x26: {  	[hbm4b:s19+s14] =	stream.strided.scatter [tilespmem:s10], [sflag:$0x2], $0x4000, s16, s14, $0x38;
	[tilespmem:$0x8200] =	vst v63  }
0x27: {  	s20 =	sadd.s32 $0x43A80, s21;
	s21 =	ssub.s32 s22, s31;
	_ =	swait.ge [sflag:s12], $0x4000  }
0x28: {  	s21 =	smax.u32 s21, $0x1;
	[sflag:s12] =	ssyncset.done $0x0  }
0x29: {  	p0 =	sne.s32 s21, $0x1;
	[sflag:s12] =	ssyncadd.s32 $0xFFFFC000  }
0x2a: {  	[hbm4b:s20+s14] =	stream.strided.scatter [tilespmem:s11], [sflag:$0x2], $0x4000, s16, s14, $0x38;
	[tilespmem:$0x8200] =	vst v63  }
.Ltmp0:
0x2b: {  	_ =	swait.ge [sflag:s15], $0x4000;
	(pc) =	sbr.rel @!p0 .LBB2_2-.Ltmp0, $4  }
0x2c: {  	[sflag:s15] =	ssyncset.done $0x0  }
0x2d: {  	[sflag:s15] =	ssyncadd.s32 $0xFFFFC000  }
0x2e: {  	_ =	swait.ge [sflag:s15], $0x4000  }
0x2f: {  	s21 =	sadd.s32 $0xFFFFFFFF, s21;
	[sflag:s15] =	ssyncset.done $0x0  }
.LBB2_1:
0x30: {  	p0 =	sne.s32 s21, $0x1;
	s21 =	sadd.s32 $0xFFFFFFFF, s21;
	[sflag:s15] =	ssyncadd.s32 $0xFFFFC000  }
0x31: {  	[tilespmem:s4], [sflag:$0x3] =	stream.linear.gather [hbm4b:s5+s4], $0x100, $0x38;
	[tilespmem:$0x8200] =	vst v63  }
0x32: {  	_ =	swait.ge [sflag:s6], $0x100  }
0x33: {  	[sflag:s6] =	ssyncset.done $0x0  }
0x34: {  	[sflag:s6] =	ssyncadd.s32 $0xFFFFFF00  }
0x35: {  	[tilespmem:s8], [sflag:$0x3] =	stream.linear.gather [hbm4b:s7+s4], $0x100, $0x38;
	[tilespmem:$0x8200] =	vst v63  }
0x36: {  	_ =	swait.ge [sflag:s6], $0x100  }
0x37: {  	[sflag:s6] =	ssyncset.done $0x0  }
0x38: {  	[sflag:s6] =	ssyncadd.s32 $0xFFFFFF00  }
0x39: {  	[tilespmem:s10], [sflag:$0x1] =	stream.indirect.gather [hbm4b:s2+s9], $0x80, s4, s9, $0xb8;
	[tilespmem:$0x8200] =	vst v63  }
0x3a: {  	_ = 	snop  }
0x3b: {  	[tilespmem:s11], [sflag:$0x1] =	stream.indirect.gather [hbm4b:s2+s9], $0x80, s9, s9, $0xb8;
	[tilespmem:$0x8200] =	vst v63  }
0x3c: {  	_ =	swait.ge [sflag:s12], $0x4000  }
0x3d: {  	[sflag:s12] =	ssyncset.done $0x0  }
0x3e: {  	[sflag:s12] =	ssyncadd.s32 $0xFFFFC000  }
0x3f: {  	[hbm4b:s13+s14] =	stream.strided.scatter [tilespmem:s10], [sflag:$0x2], $0x4000, s16, s14, $0x38;
	[tilespmem:$0x8200] =	vst v63  }
0x40: {  	_ =	swait.ge [sflag:s15], $0x4000  }
0x41: {  	[sflag:s15] =	ssyncset.done $0x0  }
0x42: {  	[sflag:s15] =	ssyncadd.s32 $0xFFFFC000  }
0x43: {  	[tilespmem:s10], [sflag:$0x1] =	stream.indirect.gather [hbm4b:s3+s9], $0x80, s8, s9, $0xb8;
	[tilespmem:$0x8200] =	vst v63  }
0x44: {  	_ =	swait.ge [sflag:s12], $0x4000  }
0x45: {  	[sflag:s12] =	ssyncset.done $0x0  }
0x46: {  	[sflag:s12] =	ssyncadd.s32 $0xFFFFC000  }
0x47: {  	[hbm4b:s17+s14] =	stream.strided.scatter [tilespmem:s11], [sflag:$0x2], $0x4000, s16, s14, $0x38;
	[tilespmem:$0x8200] =	vst v63  }
0x48: {  	_ =	swait.ge [sflag:s15], $0x4000  }
0x49: {  	[sflag:s15] =	ssyncset.done $0x0  }
0x4a: {  	[sflag:s15] =	ssyncadd.s32 $0xFFFFC000  }
0x4b: {  	[tilespmem:s11], [sflag:$0x1] =	stream.indirect.gather [hbm4b:s3+s9], $0x80, s18, s9, $0xb8;
	[tilespmem:$0x8200] =	vst v63  }
0x4c: {  	_ =	swait.ge [sflag:s12], $0x4000  }
0x4d: {  	[sflag:s12] =	ssyncset.done $0x0  }
0x4e: {  	[sflag:s12] =	ssyncadd.s32 $0xFFFFC000  }
0x4f: {  	[hbm4b:s19+s14] =	stream.strided.scatter [tilespmem:s10], [sflag:$0x2], $0x4000, s16, s14, $0x38;
	[tilespmem:$0x8200] =	vst v63  }
0x50: {  	_ =	swait.ge [sflag:s12], $0x4000  }
0x51: {  	[sflag:s12] =	ssyncset.done $0x0  }
0x52: {  	[sflag:s12] =	ssyncadd.s32 $0xFFFFC000  }
0x53: {  	[hbm4b:s20+s14] =	stream.strided.scatter [tilespmem:s11], [sflag:$0x2], $0x4000, s16, s14, $0x38;
	[tilespmem:$0x8200] =	vst v63  }
.Ltmp1:
0x54: {  	_ =	swait.ge [sflag:s15], $0x4000;
	(pc) =	sbr.rel @p0 .LBB2_1-.Ltmp1, $4  }
0x55: {  	[sflag:s15] =	ssyncset.done $0x0  }
0x56: {  	[sflag:s15] =	ssyncadd.s32 $0xFFFFC000  }
0x57: {  	_ =	swait.ge [sflag:s15], $0x4000  }
0x58: {  	[sflag:s15] =	ssyncset.done $0x0  }
.LBB2_2:
0x59: {  	[sflag:s15] =	ssyncadd.s32 $0xFFFFC000  }
0x5a: {  	_ =	sfence.sel $0x180000  }
0x5b: {  	[bflag:$0x0] =	sbarrier.arrive $0xFFFF  }
0x5c: {  	p0 =	sne.s32 s0, $0x0;
	_ =	strace $0x9000004A  }
0x5d: {  	s0 =	sadd.s32 @!p0 $0x100000, s1;
	[bflag:$0x2] =	sbarrier.arrive $0xFFFF  }
0x5e: {  	[sflag:s0] =	ssyncadd.tile.s32 @!p0 $0x1;
	_ =	shalt  }
.Lfunc_end2:
_tile_overlayer_lowered:
.L_overlay_start_2:
0x5f: {  	(tag) =	ssettag $0x2  }
0x60: {  	s0 =	rddreg [dreg:$0x0];
	s2 =	stileid.u32  }
0x61: {  	s1 =	rddreg [dreg:$0x1];
	p0 =	sne.s32 s2, $0x0  }
0x62: {  	s3 =	rddreg [dreg:$0x2];
	[bflag:$0x3] =	sbarrier.arrive $0xFFFF;
	s2 =	simm.s32 @!p0 $0x1C03  }
0x63: {  	[timem:s3], [sflag:s2] =	dma.local @!p0 [hbm:s0], s1  }
0x64: {  	s0 =	simm.s32 @!p0 $0x3  }
0x65: {  	_ =	swait.ge @!p0 [sflag:s0], s1  }
0x66: {  	s1 =	ssub.s32 @!p0 $0x0, s1;
	[sflag:s0] =	ssyncset.done @!p0 $0x0  }
0x67: {  	[sflag:s0] =	ssyncadd.s32 @!p0 s1  }
0x68: {  	[bflag:$0x3] =	sbarrier.arrive $0xFFFF  }
0x69: {  	_ =	shalt  }

</sc_bundles>
